<compile_context>
chip_gen: v7x
topology: tpu7x:2x2x1
jax: 0.10.2.dev20260603
libtpu: 0.0.44.dev20260713+nightly
codegen_flags: <defaults>
</compile_context>

<pallas_src>
import functools

import jax
import jax.numpy as jnp
from jax import lax
from jax.experimental import pallas as pl
from jax.experimental.pallas import tpu as pltpu
from jax.experimental.pallas import tpu_sc as plsc

_K = 4
_NC = 1 << _K
_SPLIT = 3584


def _moebius_js():
    jj = lax.broadcasted_iota(jnp.int32, (_NC, _NC), 0)
    ss = lax.broadcasted_iota(jnp.int32, (_NC, _NC), 1)
    subset = (jj & ss) == jj
    d = ss ^ jj
    pc = (d & 1) + ((d >> 1) & 1) + ((d >> 2) & 1) + ((d >> 3) & 1)
    sign = (1 - 2 * (pc & 1)).astype(jnp.float32)
    return jnp.where(subset, sign, 0.0)



def _make_sc_gather(b, tk):
    info = plsc.get_sparse_core_info()
    ncores, nsub = info.num_cores, info.num_subcores
    nw = ncores * nsub
    rows_per_w = tk // nw
    ch = min(rows_per_w, 8)
    nch = rows_per_w // ch
    mesh = plsc.VectorSubcoreMesh(core_axis_name="c", subcore_axis_name="s")

    @functools.partial(
        pl.kernel,
        out_type=jax.ShapeDtypeStruct((tk, b), jnp.float32),
        mesh=mesh,
        scratch_types=[
            pltpu.VMEM((ch,), jnp.int32),
            pltpu.VMEM((ch,), jnp.int32),
            pltpu.VMEM((ch, b), jnp.float32),
            pltpu.VMEM((ch, b), jnp.float32),
            pltpu.SemaphoreType.DMA,
            pltpu.SemaphoreType.DMA,
            pltpu.SemaphoreType.DMA,
            pltpu.SemaphoreType.DMA,
        ],
    )
    def gather(xt_hbm, idx_hbm, out_hbm, i0, i1, r0, r1, g0, g1, w0, w1):
        wid = lax.axis_index("s") * ncores + lax.axis_index("c")
        base = wid * rows_per_w
        idx = (i0, i1)
        rows = (r0, r1)
        gsem = (g0, g1)
        wsem = (w0, w1)

        def out_at(c):
            return out_hbm.at[pl.ds(base + c * ch, ch)]

        for c in range(nch):
            s = c % 2
            if c >= 2:
                pltpu.make_async_copy(rows[s], out_at(c - 2), wsem[s]).wait()
            pltpu.sync_copy(idx_hbm.at[pl.ds(base + c * ch, ch)], idx[s])
            pltpu.async_copy(xt_hbm.at[idx[s]], rows[s], gsem[s])
            if c >= 1:
                p = (c - 1) % 2
                pltpu.make_async_copy(xt_hbm.at[idx[p]], rows[p], gsem[p]).wait()
                pltpu.async_copy(rows[p], out_at(c - 1), wsem[p])
        last = nch - 1
        s = last % 2
        pltpu.make_async_copy(xt_hbm.at[idx[s]], rows[s], gsem[s]).wait()
        pltpu.async_copy(rows[s], out_at(last), wsem[s])
        if nch >= 2:
            p = (last - 1) % 2
            pltpu.make_async_copy(rows[p], out_at(last - 1), wsem[p]).wait()
        pltpu.make_async_copy(rows[s], out_at(last), wsem[s]).wait()

    return gather



def _dense_body(g_ref, cpd_ref, out_ref):
    t = g_ref.shape[0] // _K

    g0 = g_ref[0 * t:1 * t, :]
    g1 = g_ref[1 * t:2 * t, :]
    g2 = g_ref[2 * t:3 * t, :]
    g3 = g_ref[3 * t:4 * t, :]

    cp = jnp.dot(cpd_ref[...], _moebius_js(),
                 preferred_element_type=jnp.float32)

    q3 = g2 * g3
    p3 = g0 * g1

    def r(i):
        return (cp[:, 4 * i + 0:4 * i + 1]
                + cp[:, 4 * i + 1:4 * i + 2] * g3
                + cp[:, 4 * i + 2:4 * i + 3] * g2
                + cp[:, 4 * i + 3:4 * i + 4] * q3)

    inner = r(0) + r(1) * g1 + r(2) * g0 + r(3) * p3
    out_ref[...] = jnp.sum(inner, axis=0, keepdims=True)


def _dense_tc(g, cpd, b, t, tk):
    bb = min(b, 512)
    out = pl.pallas_call(
        _dense_body,
        grid=(b // bb,),
        in_specs=[
            pl.BlockSpec((tk, bb), lambda i: (0, i)),
            pl.BlockSpec((t, _NC), lambda i: (0, 0)),
        ],
        out_specs=pl.BlockSpec((1, bb), lambda i: (0, i)),
        out_shape=jax.ShapeDtypeStruct((1, b), jnp.float32),
    )(g, cpd)
    return out



def _fused_body(x_ref, fvt_ref, cpdt_ref, out_ref, sel_ref):
    bb, v = x_ref.shape
    tk = fvt_ref.shape[1]
    t = tk // _K

    @pl.when(pl.program_id(0) == 0)
    def _():
        iota_v = lax.broadcasted_iota(jnp.int32, (v, tk), 0)
        sel_ref[...] = (iota_v == fvt_ref[...]).astype(jnp.float32)

    g = jnp.dot(x_ref[...], sel_ref[...], preferred_element_type=jnp.float32)

    g0 = g[:, 0 * t:1 * t]
    g1 = g[:, 1 * t:2 * t]
    g2 = g[:, 2 * t:3 * t]
    g3 = g[:, 3 * t:4 * t]

    cp = jnp.dot(_moebius_js().T, cpdt_ref[...],
                 preferred_element_type=jnp.float32)

    q3 = g2 * g3
    p3 = g0 * g1

    def r(i):
        return (cp[4 * i + 0][None, :]
                + cp[4 * i + 1][None, :] * g3
                + cp[4 * i + 2][None, :] * g2
                + cp[4 * i + 3][None, :] * q3)

    inner = r(0) + r(1) * g1 + r(2) * g0 + r(3) * p3
    out_ref[...] = jnp.sum(inner, axis=1)[None, :]


def _fused_tc(x, fvt, cpdt, bs, v, t, tk):
    bb = min(bs, 896)
    out = pl.pallas_call(
        _fused_body,
        grid=(bs // bb,),
        in_specs=[
            pl.BlockSpec((bb, v), lambda i: (i, 0)),
            pl.BlockSpec((1, tk), lambda i: (0, 0)),
            pl.BlockSpec((_NC, t), lambda i: (0, 0)),
        ],
        out_specs=pl.BlockSpec((1, bb), lambda i: (0, i)),
        out_shape=jax.ShapeDtypeStruct((1, bs), jnp.float32),
        scratch_shapes=[pltpu.VMEM((v, tk), jnp.float32)],
    )(x, fvt, cpdt)
    return out



def kernel(x, func_vars, cpd):
    b, v = x.shape
    t, k = func_vars.shape
    assert k == _K
    tk = t * k
    fvt = func_vars.T.reshape(1, tk).astype(jnp.int32)
    fv_flat = fvt.reshape(tk)

    bs = _SPLIT
    b1 = b - bs

    xt1 = x[bs:].T
    g1 = _make_sc_gather(b1, tk)(xt1, fv_flat)
    out0 = _fused_tc(x, fvt, cpd.T, bs, v, t, tk)
    out1 = _dense_tc(g1, cpd, b1, t, tk)
    return jnp.concatenate([out0, out1], axis=1).reshape(b)

# --- scband reference (transcript-rebuilt; emitter-appended) ---
"""Pipeline reference for scband-binary-bnmodel-5540507812483 (READ-ONLY COPY).

The authoritative reference and input builder live on the scoring server;
editing this copy changes nothing except your own understanding.
"""

import jax, jax.numpy as jnp
import numpy as np

B, V, T, K = 4096, 512, 256, 4


def setup_inputs(seed: int = 0) -> dict:
    key = jax.random.key(seed)
    k1, k2, k3 = jax.random.split(key, 3)
    x = jax.random.uniform(k1, (B, V), dtype=jnp.float32)
    func_vars = jax.random.randint(k2, (T, K), 0, V, dtype=jnp.int64 if jax.config.read('jax_enable_x64') else jnp.int32).astype(jnp.int32)
    cpd = jax.random.normal(k3, (T, 2 ** K), dtype=jnp.float32)
    return {"x": x, "func_vars": func_vars, "cpd": cpd}


def reference(x, func_vars, cpd):
    # Faithful vectorization of BinaryBNModel.evaluate: for each CPT t,
    #   all_values = x[:, func_vars[t]]                      (gather)
    #   selected   = where(combo==1, all_values, 1-all_values)
    #   product    = prod(selected, axis=vars)
    #   ll        += cpd[t] @ product
    Tn, Kn = func_vars.shape
    combos = jnp.array(
        [[(j >> k) & 1 for k in range(Kn - 1, -1, -1)] for j in range(2 ** Kn)],
        dtype=jnp.float32,
    )  # [2^K, K]
    gathered = jnp.take(x, func_vars, axis=1)  # [B, T, K]
    expanded = gathered[:, :, None, :]         # [B, T, 1, K]
    inverse = 1.0 - expanded
    selected = jnp.where(combos[None, None, :, :] == 1.0, expanded, inverse)  # [B, T, 2^K, K]
    product_terms = jnp.prod(selected, axis=-1)  # [B, T, 2^K]
    ll_scores = jnp.einsum('ti,bti->b', cpd, product_terms)  # sum over tables of cpd @ product
    return ll_scores

if __name__ == "__main__":
    import jax
    _d = setup_inputs()
    print(jax.jit(kernel)(*tuple(_d.values())))

</pallas_src>

<mosaic_0001>
#map = affine_map<(d0, d1) -> (0, 0)>
#map1 = affine_map<(d0, d1) -> (0)>
module attributes {stable_mosaic.version = 14 : i64} {
  func.func @gather(%arg0: i32, %arg1: i32, %arg2: memref<512x512xf32, #tpu.memory_space<hbm>>, %arg3: memref<1024xi32, #tpu.memory_space<hbm>>, %arg4: memref<1024x512xf32, #tpu.memory_space<hbm>>, %arg5: memref<8xi32, #tpu.memory_space<vmem>>, %arg6: memref<8xi32, #tpu.memory_space<vmem>>, %arg7: memref<8x512xf32, #tpu.memory_space<vmem>>, %arg8: memref<8x512xf32, #tpu.memory_space<vmem>>, %arg9: memref<!tpu.dma_semaphore, #tpu.memory_space<semaphore_mem>>, %arg10: memref<!tpu.dma_semaphore, #tpu.memory_space<semaphore_mem>>, %arg11: memref<!tpu.dma_semaphore, #tpu.memory_space<semaphore_mem>>, %arg12: memref<!tpu.dma_semaphore, #tpu.memory_space<semaphore_mem>>) attributes {dimension_semantics = [#tpu.dimension_semantics<core_parallel>, #tpu.dimension_semantics<subcore_parallel>], iteration_bounds = array<i64: 2, 16>, scalar_prefetch = 0 : i64, scratch_operands = 8 : i64, tpu.core_type = #tpu.core_type<sc_vector_subcore>, window_params = [{transform_indices = #map}, {transform_indices = #map1}, {transform_indices = #map}]} {
    %mul3A = arith.constant 2 : i32
    %mul3A_0 = arith.muli %arg1, %mul3A : i32
    %add3A = arith.addi %mul3A_0, %arg0 : i32
    %mul3A_1 = arith.constant 32 : i32
    %mul3A_2 = arith.muli %add3A, %mul3A_1 : i32
    %add3A_3 = arith.constant 0 : i32
    %add3A_4 = arith.addi %mul3A_2, %add3A_3 : i32
    "tpu.region"() ({
      %run_scoped3A = tpu.sem_alloc : memref<!tpu.dma_semaphore, #tpu.memory_space<semaphore_mem>>
      %dma_start3A_81 = tpu.memref_slice %arg3[%add3A_4] : memref<1024xi32, #tpu.memory_space<hbm>> -> memref<8xi32, #tpu.memory_space<hbm>>
      %dma_start3A_82 = tpu.memref_slice %arg3[%add3A_4] : memref<1024xi32, #tpu.memory_space<hbm>> -> memref<8xi32, #tpu.memory_space<hbm>>
      tpu.enqueue_dma source(%dma_start3A_82 : memref<8xi32, #tpu.memory_space<hbm>>) target(%arg5 : memref<8xi32, #tpu.memory_space<vmem>>) target_semaphore(%run_scoped3A : memref<!tpu.dma_semaphore, #tpu.memory_space<semaphore_mem>>)
      %dma_wait3A_83 = tpu.memref_slice %arg3[%add3A_4] : memref<1024xi32, #tpu.memory_space<hbm>> -> memref<8xi32, #tpu.memory_space<hbm>>
      %dma_wait3A_84 = tpu.memref_slice %arg3[%add3A_4] : memref<1024xi32, #tpu.memory_space<hbm>> -> memref<8xi32, #tpu.memory_space<hbm>>
      tpu.wait_dma2 semaphore(%run_scoped3A : memref<!tpu.dma_semaphore, #tpu.memory_space<semaphore_mem>>) src(%dma_wait3A_84 : memref<8xi32, #tpu.memory_space<hbm>>) dst(%arg5 : memref<8xi32, #tpu.memory_space<vmem>>)
      tpu.yield
    }) : () -> ()
    %dma_start3A = arith.constant 0 : i32
    %dma_start3A_5 = arith.constant 0 : i32
    %dma_start3A_6 = tpu.memref_slice %arg2[%dma_start3A, %dma_start3A_5] : memref<512x512xf32, #tpu.memory_space<hbm>> -> memref<512x512xf32, #tpu.memory_space<hbm>>
    tpu.enqueue_indirect_dma source(%dma_start3A_6 : memref<512x512xf32, #tpu.memory_space<hbm>>) target(%arg7 : memref<8x512xf32, #tpu.memory_space<vmem>>) offsets(%arg5 : memref<8xi32, #tpu.memory_space<vmem>>) semaphore(%arg9 : memref<!tpu.dma_semaphore, #tpu.memory_space<semaphore_mem>>)
    %add3A_7 = arith.constant 8 : i32
    %add3A_8 = arith.addi %mul3A_2, %add3A_7 : i32
    "tpu.region"() ({
      %run_scoped3A = tpu.sem_alloc : memref<!tpu.dma_semaphore, #tpu.memory_space<semaphore_mem>>
      %dma_start3A_81 = tpu.memref_slice %arg3[%add3A_8] : memref<1024xi32, #tpu.memory_space<hbm>> -> memref<8xi32, #tpu.memory_space<hbm>>
      %dma_start3A_82 = tpu.memref_slice %arg3[%add3A_8] : memref<1024xi32, #tpu.memory_space<hbm>> -> memref<8xi32, #tpu.memory_space<hbm>>
      tpu.enqueue_dma source(%dma_start3A_82 : memref<8xi32, #tpu.memory_space<hbm>>) target(%arg6 : memref<8xi32, #tpu.memory_space<vmem>>) target_semaphore(%run_scoped3A : memref<!tpu.dma_semaphore, #tpu.memory_space<semaphore_mem>>)
      %dma_wait3A_83 = tpu.memref_slice %arg3[%add3A_8] : memref<1024xi32, #tpu.memory_space<hbm>> -> memref<8xi32, #tpu.memory_space<hbm>>
      %dma_wait3A_84 = tpu.memref_slice %arg3[%add3A_8] : memref<1024xi32, #tpu.memory_space<hbm>> -> memref<8xi32, #tpu.memory_space<hbm>>
      tpu.wait_dma2 semaphore(%run_scoped3A : memref<!tpu.dma_semaphore, #tpu.memory_space<semaphore_mem>>) src(%dma_wait3A_84 : memref<8xi32, #tpu.memory_space<hbm>>) dst(%arg6 : memref<8xi32, #tpu.memory_space<vmem>>)
      tpu.yield
    }) : () -> ()
    %dma_start3A_9 = arith.constant 0 : i32
    %dma_start3A_10 = arith.constant 0 : i32
    %dma_start3A_11 = tpu.memref_slice %arg2[%dma_start3A_9, %dma_start3A_10] : memref<512x512xf32, #tpu.memory_space<hbm>> -> memref<512x512xf32, #tpu.memory_space<hbm>>
    tpu.enqueue_indirect_dma source(%dma_start3A_11 : memref<512x512xf32, #tpu.memory_space<hbm>>) target(%arg8 : memref<8x512xf32, #tpu.memory_space<vmem>>) offsets(%arg6 : memref<8xi32, #tpu.memory_space<vmem>>) semaphore(%arg10 : memref<!tpu.dma_semaphore, #tpu.memory_space<semaphore_mem>>)
    %dma_wait3A = arith.constant 0 : i32
    %dma_wait3A_12 = arith.constant 0 : i32
    %dma_wait3A_13 = tpu.memref_slice %arg2[%dma_wait3A, %dma_wait3A_12] : memref<512x512xf32, #tpu.memory_space<hbm>> -> memref<512x512xf32, #tpu.memory_space<hbm>>
    tpu.wait_indirect_dma semaphore(%arg9 : memref<!tpu.dma_semaphore, #tpu.memory_space<semaphore_mem>>) src(%dma_wait3A_13 : memref<512x512xf32, #tpu.memory_space<hbm>>) dst(%arg7 : memref<8x512xf32, #tpu.memory_space<vmem>>)
    %add3A_14 = arith.constant 0 : i32
    %add3A_15 = arith.addi %mul3A_2, %add3A_14 : i32
    %dma_start3A_16 = arith.constant 0 : i32
    %dma_start3A_17 = tpu.memref_slice %arg4[%add3A_15, %dma_start3A_16] : memref<1024x512xf32, #tpu.memory_space<hbm>> -> memref<8x512xf32, #tpu.memory_space<hbm>>
    %dma_start3A_18 = arith.constant 0 : i32
    %dma_start3A_19 = tpu.memref_slice %arg4[%add3A_15, %dma_start3A_18] : memref<1024x512xf32, #tpu.memory_space<hbm>> -> memref<8x512xf32, #tpu.memory_space<hbm>>
    tpu.enqueue_dma source(%arg7 : memref<8x512xf32, #tpu.memory_space<vmem>>) target(%dma_start3A_19 : memref<8x512xf32, #tpu.memory_space<hbm>>) target_semaphore(%arg11 : memref<!tpu.dma_semaphore, #tpu.memory_space<semaphore_mem>>)
    %add3A_20 = arith.constant 0 : i32
    %add3A_21 = arith.addi %mul3A_2, %add3A_20 : i32
    %dma_wait3A_22 = arith.constant 0 : i32
    %dma_wait3A_23 = tpu.memref_slice %arg4[%add3A_21, %dma_wait3A_22] : memref<1024x512xf32, #tpu.memory_space<hbm>> -> memref<8x512xf32, #tpu.memory_space<hbm>>
    %dma_wait3A_24 = arith.constant 0 : i32
    %dma_wait3A_25 = tpu.memref_slice %arg4[%add3A_21, %dma_wait3A_24] : memref<1024x512xf32, #tpu.memory_space<hbm>> -> memref<8x512xf32, #tpu.memory_space<hbm>>
    tpu.wait_dma2 semaphore(%arg11 : memref<!tpu.dma_semaphore, #tpu.memory_space<semaphore_mem>>) src(%arg7 : memref<8x512xf32, #tpu.memory_space<vmem>>) dst(%dma_wait3A_25 : memref<8x512xf32, #tpu.memory_space<hbm>>)
    %add3A_26 = arith.constant 16 : i32
    %add3A_27 = arith.addi %mul3A_2, %add3A_26 : i32
    "tpu.region"() ({
      %run_scoped3A = tpu.sem_alloc : memref<!tpu.dma_semaphore, #tpu.memory_space<semaphore_mem>>
      %dma_start3A_81 = tpu.memref_slice %arg3[%add3A_27] : memref<1024xi32, #tpu.memory_space<hbm>> -> memref<8xi32, #tpu.memory_space<hbm>>
      %dma_start3A_82 = tpu.memref_slice %arg3[%add3A_27] : memref<1024xi32, #tpu.memory_space<hbm>> -> memref<8xi32, #tpu.memory_space<hbm>>
      tpu.enqueue_dma source(%dma_start3A_82 : memref<8xi32, #tpu.memory_space<hbm>>) target(%arg5 : memref<8xi32, #tpu.memory_space<vmem>>) target_semaphore(%run_scoped3A : memref<!tpu.dma_semaphore, #tpu.memory_space<semaphore_mem>>)
      %dma_wait3A_83 = tpu.memref_slice %arg3[%add3A_27] : memref<1024xi32, #tpu.memory_space<hbm>> -> memref<8xi32, #tpu.memory_space<hbm>>
      %dma_wait3A_84 = tpu.memref_slice %arg3[%add3A_27] : memref<1024xi32, #tpu.memory_space<hbm>> -> memref<8xi32, #tpu.memory_space<hbm>>
      tpu.wait_dma2 semaphore(%run_scoped3A : memref<!tpu.dma_semaphore, #tpu.memory_space<semaphore_mem>>) src(%dma_wait3A_84 : memref<8xi32, #tpu.memory_space<hbm>>) dst(%arg5 : memref<8xi32, #tpu.memory_space<vmem>>)
      tpu.yield
    }) : () -> ()
    %dma_start3A_28 = arith.constant 0 : i32
    %dma_start3A_29 = arith.constant 0 : i32
    %dma_start3A_30 = tpu.memref_slice %arg2[%dma_start3A_28, %dma_start3A_29] : memref<512x512xf32, #tpu.memory_space<hbm>> -> memref<512x512xf32, #tpu.memory_space<hbm>>
    tpu.enqueue_indirect_dma source(%dma_start3A_30 : memref<512x512xf32, #tpu.memory_space<hbm>>) target(%arg7 : memref<8x512xf32, #tpu.memory_space<vmem>>) offsets(%arg5 : memref<8xi32, #tpu.memory_space<vmem>>) semaphore(%arg9 : memref<!tpu.dma_semaphore, #tpu.memory_space<semaphore_mem>>)
    %dma_wait3A_31 = arith.constant 0 : i32
    %dma_wait3A_32 = arith.constant 0 : i32
    %dma_wait3A_33 = tpu.memref_slice %arg2[%dma_wait3A_31, %dma_wait3A_32] : memref<512x512xf32, #tpu.memory_space<hbm>> -> memref<512x512xf32, #tpu.memory_space<hbm>>
    tpu.wait_indirect_dma semaphore(%arg10 : memref<!tpu.dma_semaphore, #tpu.memory_space<semaphore_mem>>) src(%dma_wait3A_33 : memref<512x512xf32, #tpu.memory_space<hbm>>) dst(%arg8 : memref<8x512xf32, #tpu.memory_space<vmem>>)
    %add3A_34 = arith.constant 8 : i32
    %add3A_35 = arith.addi %mul3A_2, %add3A_34 : i32
    %dma_start3A_36 = arith.constant 0 : i32
    %dma_start3A_37 = tpu.memref_slice %arg4[%add3A_35, %dma_start3A_36] : memref<1024x512xf32, #tpu.memory_space<hbm>> -> memref<8x512xf32, #tpu.memory_space<hbm>>
    %dma_start3A_38 = arith.constant 0 : i32
    %dma_start3A_39 = tpu.memref_slice %arg4[%add3A_35, %dma_start3A_38] : memref<1024x512xf32, #tpu.memory_space<hbm>> -> memref<8x512xf32, #tpu.memory_space<hbm>>
    tpu.enqueue_dma source(%arg8 : memref<8x512xf32, #tpu.memory_space<vmem>>) target(%dma_start3A_39 : memref<8x512xf32, #tpu.memory_space<hbm>>) target_semaphore(%arg12 : memref<!tpu.dma_semaphore, #tpu.memory_space<semaphore_mem>>)
    %add3A_40 = arith.constant 8 : i32
    %add3A_41 = arith.addi %mul3A_2, %add3A_40 : i32
    %dma_wait3A_42 = arith.constant 0 : i32
    %dma_wait3A_43 = tpu.memref_slice %arg4[%add3A_41, %dma_wait3A_42] : memref<1024x512xf32, #tpu.memory_space<hbm>> -> memref<8x512xf32, #tpu.memory_space<hbm>>
    %dma_wait3A_44 = arith.constant 0 : i32
    %dma_wait3A_45 = tpu.memref_slice %arg4[%add3A_41, %dma_wait3A_44] : memref<1024x512xf32, #tpu.memory_space<hbm>> -> memref<8x512xf32, #tpu.memory_space<hbm>>
    tpu.wait_dma2 semaphore(%arg12 : memref<!tpu.dma_semaphore, #tpu.memory_space<semaphore_mem>>) src(%arg8 : memref<8x512xf32, #tpu.memory_space<vmem>>) dst(%dma_wait3A_45 : memref<8x512xf32, #tpu.memory_space<hbm>>)
    %add3A_46 = arith.constant 24 : i32
    %add3A_47 = arith.addi %mul3A_2, %add3A_46 : i32
    "tpu.region"() ({
      %run_scoped3A = tpu.sem_alloc : memref<!tpu.dma_semaphore, #tpu.memory_space<semaphore_mem>>
      %dma_start3A_81 = tpu.memref_slice %arg3[%add3A_47] : memref<1024xi32, #tpu.memory_space<hbm>> -> memref<8xi32, #tpu.memory_space<hbm>>
      %dma_start3A_82 = tpu.memref_slice %arg3[%add3A_47] : memref<1024xi32, #tpu.memory_space<hbm>> -> memref<8xi32, #tpu.memory_space<hbm>>
      tpu.enqueue_dma source(%dma_start3A_82 : memref<8xi32, #tpu.memory_space<hbm>>) target(%arg6 : memref<8xi32, #tpu.memory_space<vmem>>) target_semaphore(%run_scoped3A : memref<!tpu.dma_semaphore, #tpu.memory_space<semaphore_mem>>)
      %dma_wait3A_83 = tpu.memref_slice %arg3[%add3A_47] : memref<1024xi32, #tpu.memory_space<hbm>> -> memref<8xi32, #tpu.memory_space<hbm>>
      %dma_wait3A_84 = tpu.memref_slice %arg3[%add3A_47] : memref<1024xi32, #tpu.memory_space<hbm>> -> memref<8xi32, #tpu.memory_space<hbm>>
      tpu.wait_dma2 semaphore(%run_scoped3A : memref<!tpu.dma_semaphore, #tpu.memory_space<semaphore_mem>>) src(%dma_wait3A_84 : memref<8xi32, #tpu.memory_space<hbm>>) dst(%arg6 : memref<8xi32, #tpu.memory_space<vmem>>)
      tpu.yield
    }) : () -> ()
    %dma_start3A_48 = arith.constant 0 : i32
    %dma_start3A_49 = arith.constant 0 : i32
    %dma_start3A_50 = tpu.memref_slice %arg2[%dma_start3A_48, %dma_start3A_49] : memref<512x512xf32, #tpu.memory_space<hbm>> -> memref<512x512xf32, #tpu.memory_space<hbm>>
    tpu.enqueue_indirect_dma source(%dma_start3A_50 : memref<512x512xf32, #tpu.memory_space<hbm>>) target(%arg8 : memref<8x512xf32, #tpu.memory_space<vmem>>) offsets(%arg6 : memref<8xi32, #tpu.memory_space<vmem>>) semaphore(%arg10 : memref<!tpu.dma_semaphore, #tpu.memory_space<semaphore_mem>>)
    %dma_wait3A_51 = arith.constant 0 : i32
    %dma_wait3A_52 = arith.constant 0 : i32
    %dma_wait3A_53 = tpu.memref_slice %arg2[%dma_wait3A_51, %dma_wait3A_52] : memref<512x512xf32, #tpu.memory_space<hbm>> -> memref<512x512xf32, #tpu.memory_space<hbm>>
    tpu.wait_indirect_dma semaphore(%arg9 : memref<!tpu.dma_semaphore, #tpu.memory_space<semaphore_mem>>) src(%dma_wait3A_53 : memref<512x512xf32, #tpu.memory_space<hbm>>) dst(%arg7 : memref<8x512xf32, #tpu.memory_space<vmem>>)
    %add3A_54 = arith.constant 16 : i32
    %add3A_55 = arith.addi %mul3A_2, %add3A_54 : i32
    %dma_start3A_56 = arith.constant 0 : i32
    %dma_start3A_57 = tpu.memref_slice %arg4[%add3A_55, %dma_start3A_56] : memref<1024x512xf32, #tpu.memory_space<hbm>> -> memref<8x512xf32, #tpu.memory_space<hbm>>
    %dma_start3A_58 = arith.constant 0 : i32
    %dma_start3A_59 = tpu.memref_slice %arg4[%add3A_55, %dma_start3A_58] : memref<1024x512xf32, #tpu.memory_space<hbm>> -> memref<8x512xf32, #tpu.memory_space<hbm>>
    tpu.enqueue_dma source(%arg7 : memref<8x512xf32, #tpu.memory_space<vmem>>) target(%dma_start3A_59 : memref<8x512xf32, #tpu.memory_space<hbm>>) target_semaphore(%arg11 : memref<!tpu.dma_semaphore, #tpu.memory_space<semaphore_mem>>)
    %dma_wait3A_60 = arith.constant 0 : i32
    %dma_wait3A_61 = arith.constant 0 : i32
    %dma_wait3A_62 = tpu.memref_slice %arg2[%dma_wait3A_60, %dma_wait3A_61] : memref<512x512xf32, #tpu.memory_space<hbm>> -> memref<512x512xf32, #tpu.memory_space<hbm>>
    tpu.wait_indirect_dma semaphore(%arg10 : memref<!tpu.dma_semaphore, #tpu.memory_space<semaphore_mem>>) src(%dma_wait3A_62 : memref<512x512xf32, #tpu.memory_space<hbm>>) dst(%arg8 : memref<8x512xf32, #tpu.memory_space<vmem>>)
    %add3A_63 = arith.constant 24 : i32
    %add3A_64 = arith.addi %mul3A_2, %add3A_63 : i32
    %dma_start3A_65 = arith.constant 0 : i32
    %dma_start3A_66 = tpu.memref_slice %arg4[%add3A_64, %dma_start3A_65] : memref<1024x512xf32, #tpu.memory_space<hbm>> -> memref<8x512xf32, #tpu.memory_space<hbm>>
    %dma_start3A_67 = arith.constant 0 : i32
    %dma_start3A_68 = tpu.memref_slice %arg4[%add3A_64, %dma_start3A_67] : memref<1024x512xf32, #tpu.memory_space<hbm>> -> memref<8x512xf32, #tpu.memory_space<hbm>>
    tpu.enqueue_dma source(%arg8 : memref<8x512xf32, #tpu.memory_space<vmem>>) target(%dma_start3A_68 : memref<8x512xf32, #tpu.memory_space<hbm>>) target_semaphore(%arg12 : memref<!tpu.dma_semaphore, #tpu.memory_space<semaphore_mem>>)
    %add3A_69 = arith.constant 16 : i32
    %add3A_70 = arith.addi %mul3A_2, %add3A_69 : i32
    %dma_wait3A_71 = arith.constant 0 : i32
    %dma_wait3A_72 = tpu.memref_slice %arg4[%add3A_70, %dma_wait3A_71] : memref<1024x512xf32, #tpu.memory_space<hbm>> -> memref<8x512xf32, #tpu.memory_space<hbm>>
    %dma_wait3A_73 = arith.constant 0 : i32
    %dma_wait3A_74 = tpu.memref_slice %arg4[%add3A_70, %dma_wait3A_73] : memref<1024x512xf32, #tpu.memory_space<hbm>> -> memref<8x512xf32, #tpu.memory_space<hbm>>
    tpu.wait_dma2 semaphore(%arg11 : memref<!tpu.dma_semaphore, #tpu.memory_space<semaphore_mem>>) src(%arg7 : memref<8x512xf32, #tpu.memory_space<vmem>>) dst(%dma_wait3A_74 : memref<8x512xf32, #tpu.memory_space<hbm>>)
    %add3A_75 = arith.constant 24 : i32
    %add3A_76 = arith.addi %mul3A_2, %add3A_75 : i32
    %dma_wait3A_77 = arith.constant 0 : i32
    %dma_wait3A_78 = tpu.memref_slice %arg4[%add3A_76, %dma_wait3A_77] : memref<1024x512xf32, #tpu.memory_space<hbm>> -> memref<8x512xf32, #tpu.memory_space<hbm>>
    %dma_wait3A_79 = arith.constant 0 : i32
    %dma_wait3A_80 = tpu.memref_slice %arg4[%add3A_76, %dma_wait3A_79] : memref<1024x512xf32, #tpu.memory_space<hbm>> -> memref<8x512xf32, #tpu.memory_space<hbm>>
    tpu.wait_dma2 semaphore(%arg12 : memref<!tpu.dma_semaphore, #tpu.memory_space<semaphore_mem>>) src(%arg8 : memref<8x512xf32, #tpu.memory_space<vmem>>) dst(%dma_wait3A_80 : memref<8x512xf32, #tpu.memory_space<hbm>>)
    return
  }
}

module attributes {stable_mosaic.version = 14 : i64} {
  func.func @_fused_body(%arg0: i32, %arg1: memref<896x512xf32, #tpu.memory_space<vmem>>, %arg2: memref<1x1024xi32, #tpu.memory_space<vmem>>, %arg3: memref<16x256xf32, #tpu.memory_space<vmem>>, %arg4: memref<1x896xf32, #tpu.memory_space<vmem>>, %arg5: memref<512x1024xf32, #tpu.memory_space<vmem>>) attributes {dimension_semantics = [#tpu.dimension_semantics<arbitrary>], iteration_bounds = array<i64: 4>, scalar_prefetch = 0 : i64, scratch_operands = 1 : i64, tpu.core_type = #tpu.core_type<tc>, window_params = [{transform_indices = @transform_0, window_bounds = array<i64: 896, 512>}, {pipeline_mode = #tpu.pipeline_mode<synchronous>, transform_indices = @transform_1, window_bounds = array<i64: 1, 1024>}, {pipeline_mode = #tpu.pipeline_mode<synchronous>, transform_indices = @transform_2, window_bounds = array<i64: 16, 256>}, {transform_indices = @transform_3, window_bounds = array<i64: 1, 896>}]} {
    %eq3A = arith.constant 0 : i32
    %eq3A_0 = arith.cmpi eq, %arg0, %eq3A : i32
    %convert_element_type3A = arith.extui %eq3A_0 : i1 to i32
    %cond3A = arith.constant 0 : i32
    %cond3A_1 = arith.cmpi ne, %convert_element_type3A, %cond3A : i32
    scf.if %cond3A_1 {
      %iota3A_147 = tpu.iota {dimensions = array<i32: 0>} : vector<512x1024xi32>
      %get3A_148 = arith.constant 0 : index
      %get3A_149 = arith.constant 0 : index
      %get3A_150 = vector.load %arg2[%get3A_148, %get3A_149] : memref<1x1024xi32, #tpu.memory_space<vmem>>, vector<1x1024xi32>
      %eq3A_151 = vector.broadcast %get3A_150 : vector<1x1024xi32> to vector<512x1024xi32>
      %eq3A_152 = arith.cmpi eq, %iota3A_147, %eq3A_151 : vector<512x1024xi32>
      %convert_element_type3A_153 = arith.extui %eq3A_152 : vector<512x1024xi1> to vector<512x1024xi32>
      %convert_element_type3A_154 = arith.sitofp %convert_element_type3A_153 : vector<512x1024xi32> to vector<512x1024xf32>
      %swap3A_155 = arith.constant 0 : index
      %swap3A_156 = arith.constant 0 : index
      %swap3A_157 = vector.load %arg5[%swap3A_155, %swap3A_156] : memref<512x1024xf32, #tpu.memory_space<vmem>>, vector<512x1024xf32>
      tpu.vector_store %arg5[%swap3A_155, %swap3A_156], %convert_element_type3A_154 {strides = array<i32>} : memref<512x1024xf32, #tpu.memory_space<vmem>>, vector<512x1024xf32>,
    } else {
    }
    %get3A = arith.constant 0 : index
    %get3A_2 = arith.constant 0 : index
    %get3A_3 = vector.load %arg1[%get3A, %get3A_2] : memref<896x512xf32, #tpu.memory_space<vmem>>, vector<896x512xf32>
    %get3A_4 = arith.constant 0 : index
    %get3A_5 = arith.constant 0 : index
    %get3A_6 = vector.load %arg5[%get3A_4, %get3A_5] : memref<512x1024xf32, #tpu.memory_space<vmem>>, vector<512x1024xf32>
    %dot_general3A = arith.constant dense<0.000000e+00> : vector<896x1024xf32>
    %dot_general3A_7 = tpu.matmul %get3A_3, %get3A_6, %dot_general3A {dimension_numbers = #tpu.dot_dimension_numbers<[1], [0], [0], [1], [0, 0, 1, 1], [], []>, transpose_lhs_hint = false} : vector<896x512xf32>, vector<512x1024xf32>, vector<896x1024xf32> -> vector<896x1024xf32>
    %slice3A = vector.extract_strided_slice %dot_general3A_7 {offsets = [0, 0], sizes = [896, 256], strides = [1, 1]} : vector<896x1024xf32> to vector<896x256xf32>
    %slice3A_8 = vector.extract_strided_slice %dot_general3A_7 {offsets = [0, 256], sizes = [896, 256], strides = [1, 1]} : vector<896x1024xf32> to vector<896x256xf32>
    %slice3A_9 = vector.extract_strided_slice %dot_general3A_7 {offsets = [0, 512], sizes = [896, 256], strides = [1, 1]} : vector<896x1024xf32> to vector<896x256xf32>
    %slice3A_10 = vector.extract_strided_slice %dot_general3A_7 {offsets = [0, 768], sizes = [896, 256], strides = [1, 1]} : vector<896x1024xf32> to vector<896x256xf32>
    %iota3A = tpu.iota {dimensions = array<i32: 0>} : vector<16x16xi32>
    %iota3A_11 = tpu.iota {dimensions = array<i32: 1>} : vector<16x16xi32>
    %and3A = arith.andi %iota3A, %iota3A_11 : vector<16x16xi32>
    %eq3A_12 = arith.cmpi eq, %and3A, %iota3A : vector<16x16xi32>
    %xor3A = arith.xori %iota3A_11, %iota3A : vector<16x16xi32>
    %and3A_13 = arith.constant 1 : i32
    %and3A_14 = vector.broadcast %and3A_13 : i32 to vector<16x16xi32>
    %and3A_15 = arith.andi %xor3A, %and3A_14 : vector<16x16xi32>
    %shift_right_arithmetic3A = arith.constant 1 : i32
    %shift_right_arithmetic3A_16 = vector.broadcast %shift_right_arithmetic3A : i32 to vector<16x16xi32>
    %shift_right_arithmetic3A_17 = arith.shrsi %xor3A, %shift_right_arithmetic3A_16 : vector<16x16xi32>
    %and3A_18 = arith.constant 1 : i32
    %and3A_19 = vector.broadcast %and3A_18 : i32 to vector<16x16xi32>
    %and3A_20 = arith.andi %shift_right_arithmetic3A_17, %and3A_19 : vector<16x16xi32>
    %add3A = arith.addi %and3A_15, %and3A_20 : vector<16x16xi32>
    %shift_right_arithmetic3A_21 = arith.constant 2 : i32
    %shift_right_arithmetic3A_22 = vector.broadcast %shift_right_arithmetic3A_21 : i32 to vector<16x16xi32>
    %shift_right_arithmetic3A_23 = arith.shrsi %xor3A, %shift_right_arithmetic3A_22 : vector<16x16xi32>
    %and3A_24 = arith.constant 1 : i32
    %and3A_25 = vector.broadcast %and3A_24 : i32 to vector<16x16xi32>
    %and3A_26 = arith.andi %shift_right_arithmetic3A_23, %and3A_25 : vector<16x16xi32>
    %add3A_27 = arith.addi %add3A, %and3A_26 : vector<16x16xi32>
    %shift_right_arithmetic3A_28 = arith.constant 3 : i32
    %shift_right_arithmetic3A_29 = vector.broadcast %shift_right_arithmetic3A_28 : i32 to vector<16x16xi32>
    %shift_right_arithmetic3A_30 = arith.shrsi %xor3A, %shift_right_arithmetic3A_29 : vector<16x16xi32>
    %and3A_31 = arith.constant 1 : i32
    %and3A_32 = vector.broadcast %and3A_31 : i32 to vector<16x16xi32>
    %and3A_33 = arith.andi %shift_right_arithmetic3A_30, %and3A_32 : vector<16x16xi32>
    %add3A_34 = arith.addi %add3A_27, %and3A_33 : vector<16x16xi32>
    %and3A_35 = arith.constant 1 : i32
    %and3A_36 = vector.broadcast %and3A_35 : i32 to vector<16x16xi32>
    %and3A_37 = arith.andi %add3A_34, %and3A_36 : vector<16x16xi32>
    %mul3A = arith.constant 2 : i32
    %mul3A_38 = vector.broadcast %mul3A : i32 to vector<16x16xi32>
    %mul3A_39 = arith.muli %mul3A_38, %and3A_37 : vector<16x16xi32>
    %sub3A = arith.constant 1 : i32
    %sub3A_40 = vector.broadcast %sub3A : i32 to vector<16x16xi32>
    %sub3A_41 = arith.subi %sub3A_40, %mul3A_39 : vector<16x16xi32>
    %convert_element_type3A_42 = arith.sitofp %sub3A_41 : vector<16x16xi32> to vector<16x16xf32>
    %jit3A = arith.constant 0.000000e+00 : f32
    %broadcast_in_dim3A = vector.broadcast %jit3A : f32 to vector<16x16xf32>
    %select_n3A = arith.select %eq3A_12, %convert_element_type3A_42, %broadcast_in_dim3A : vector<16x16xi1>, vector<16x16xf32>
    %transpose3A = tpu.transpose %select_n3A, [1, 0] : vector<16x16xf32> -> vector<16x16xf32>
    %get3A_43 = arith.constant 0 : index
    %get3A_44 = arith.constant 0 : index
    %get3A_45 = vector.load %arg3[%get3A_43, %get3A_44] : memref<16x256xf32, #tpu.memory_space<vmem>>, vector<16x256xf32>
    %dot_general3A_46 = arith.constant dense<0.000000e+00> : vector<16x256xf32>
    %dot_general3A_47 = tpu.matmul %transpose3A, %get3A_45, %dot_general3A_46 {dimension_numbers = #tpu.dot_dimension_numbers<[1], [0], [0], [1], [0, 0, 1, 1], [], []>, transpose_lhs_hint = false} : vector<16x16xf32>, vector<16x256xf32>, vector<16x256xf32> -> vector<16x256xf32>
    %mul3A_48 = arith.mulf %slice3A_9, %slice3A_10 : vector<896x256xf32>
    %mul3A_49 = arith.mulf %slice3A, %slice3A_8 : vector<896x256xf32>
    %slice3A_50 = vector.extract_strided_slice %dot_general3A_47 {offsets = [0, 0], sizes = [1, 256], strides = [1, 1]} : vector<16x256xf32> to vector<1x256xf32>
    %squeeze3A = vector.shape_cast %slice3A_50 : vector<1x256xf32> to vector<256xf32>
    %broadcast_in_dim3A_51 = vector.shape_cast %squeeze3A : vector<256xf32> to vector<1x256xf32>
    %slice3A_52 = vector.extract_strided_slice %dot_general3A_47 {offsets = [1, 0], sizes = [1, 256], strides = [1, 1]} : vector<16x256xf32> to vector<1x256xf32>
    %squeeze3A_53 = vector.shape_cast %slice3A_52 : vector<1x256xf32> to vector<256xf32>
    %broadcast_in_dim3A_54 = vector.shape_cast %squeeze3A_53 : vector<256xf32> to vector<1x256xf32>
    %mul3A_55 = vector.broadcast %broadcast_in_dim3A_54 : vector<1x256xf32> to vector<896x256xf32>
    %mul3A_56 = arith.mulf %mul3A_55, %slice3A_10 : vector<896x256xf32>
    %add3A_57 = vector.broadcast %broadcast_in_dim3A_51 : vector<1x256xf32> to vector<896x256xf32>
    %add3A_58 = arith.addf %add3A_57, %mul3A_56 : vector<896x256xf32>
    %slice3A_59 = vector.extract_strided_slice %dot_general3A_47 {offsets = [2, 0], sizes = [1, 256], strides = [1, 1]} : vector<16x256xf32> to vector<1x256xf32>
    %squeeze3A_60 = vector.shape_cast %slice3A_59 : vector<1x256xf32> to vector<256xf32>
    %broadcast_in_dim3A_61 = vector.shape_cast %squeeze3A_60 : vector<256xf32> to vector<1x256xf32>
    %mul3A_62 = vector.broadcast %broadcast_in_dim3A_61 : vector<1x256xf32> to vector<896x256xf32>
    %mul3A_63 = arith.mulf %mul3A_62, %slice3A_9 : vector<896x256xf32>
    %add3A_64 = arith.addf %add3A_58, %mul3A_63 : vector<896x256xf32>
    %slice3A_65 = vector.extract_strided_slice %dot_general3A_47 {offsets = [3, 0], sizes = [1, 256], strides = [1, 1]} : vector<16x256xf32> to vector<1x256xf32>
    %squeeze3A_66 = vector.shape_cast %slice3A_65 : vector<1x256xf32> to vector<256xf32>
    %broadcast_in_dim3A_67 = vector.shape_cast %squeeze3A_66 : vector<256xf32> to vector<1x256xf32>
    %mul3A_68 = vector.broadcast %broadcast_in_dim3A_67 : vector<1x256xf32> to vector<896x256xf32>
    %mul3A_69 = arith.mulf %mul3A_68, %mul3A_48 : vector<896x256xf32>
    %add3A_70 = arith.addf %add3A_64, %mul3A_69 : vector<896x256xf32>
    %slice3A_71 = vector.extract_strided_slice %dot_general3A_47 {offsets = [4, 0], sizes = [1, 256], strides = [1, 1]} : vector<16x256xf32> to vector<1x256xf32>
    %squeeze3A_72 = vector.shape_cast %slice3A_71 : vector<1x256xf32> to vector<256xf32>
    %broadcast_in_dim3A_73 = vector.shape_cast %squeeze3A_72 : vector<256xf32> to vector<1x256xf32>
    %slice3A_74 = vector.extract_strided_slice %dot_general3A_47 {offsets = [5, 0], sizes = [1, 256], strides = [1, 1]} : vector<16x256xf32> to vector<1x256xf32>
    %squeeze3A_75 = vector.shape_cast %slice3A_74 : vector<1x256xf32> to vector<256xf32>
    %broadcast_in_dim3A_76 = vector.shape_cast %squeeze3A_75 : vector<256xf32> to vector<1x256xf32>
    %mul3A_77 = vector.broadcast %broadcast_in_dim3A_76 : vector<1x256xf32> to vector<896x256xf32>
    %mul3A_78 = arith.mulf %mul3A_77, %slice3A_10 : vector<896x256xf32>
    %add3A_79 = vector.broadcast %broadcast_in_dim3A_73 : vector<1x256xf32> to vector<896x256xf32>
    %add3A_80 = arith.addf %add3A_79, %mul3A_78 : vector<896x256xf32>
    %slice3A_81 = vector.extract_strided_slice %dot_general3A_47 {offsets = [6, 0], sizes = [1, 256], strides = [1, 1]} : vector<16x256xf32> to vector<1x256xf32>
    %squeeze3A_82 = vector.shape_cast %slice3A_81 : vector<1x256xf32> to vector<256xf32>
    %broadcast_in_dim3A_83 = vector.shape_cast %squeeze3A_82 : vector<256xf32> to vector<1x256xf32>
    %mul3A_84 = vector.broadcast %broadcast_in_dim3A_83 : vector<1x256xf32> to vector<896x256xf32>
    %mul3A_85 = arith.mulf %mul3A_84, %slice3A_9 : vector<896x256xf32>
    %add3A_86 = arith.addf %add3A_80, %mul3A_85 : vector<896x256xf32>
    %slice3A_87 = vector.extract_strided_slice %dot_general3A_47 {offsets = [7, 0], sizes = [1, 256], strides = [1, 1]} : vector<16x256xf32> to vector<1x256xf32>
    %squeeze3A_88 = vector.shape_cast %slice3A_87 : vector<1x256xf32> to vector<256xf32>
    %broadcast_in_dim3A_89 = vector.shape_cast %squeeze3A_88 : vector<256xf32> to vector<1x256xf32>
    %mul3A_90 = vector.broadcast %broadcast_in_dim3A_89 : vector<1x256xf32> to vector<896x256xf32>
    %mul3A_91 = arith.mulf %mul3A_90, %mul3A_48 : vector<896x256xf32>
    %add3A_92 = arith.addf %add3A_86, %mul3A_91 : vector<896x256xf32>
    %mul3A_93 = arith.mulf %add3A_92, %slice3A_8 : vector<896x256xf32>
    %add3A_94 = arith.addf %add3A_70, %mul3A_93 : vector<896x256xf32>
    %slice3A_95 = vector.extract_strided_slice %dot_general3A_47 {offsets = [8, 0], sizes = [1, 256], strides = [1, 1]} : vector<16x256xf32> to vector<1x256xf32>
    %squeeze3A_96 = vector.shape_cast %slice3A_95 : vector<1x256xf32> to vector<256xf32>
    %broadcast_in_dim3A_97 = vector.shape_cast %squeeze3A_96 : vector<256xf32> to vector<1x256xf32>
    %slice3A_98 = vector.extract_strided_slice %dot_general3A_47 {offsets = [9, 0], sizes = [1, 256], strides = [1, 1]} : vector<16x256xf32> to vector<1x256xf32>
    %squeeze3A_99 = vector.shape_cast %slice3A_98 : vector<1x256xf32> to vector<256xf32>
    %broadcast_in_dim3A_100 = vector.shape_cast %squeeze3A_99 : vector<256xf32> to vector<1x256xf32>
    %mul3A_101 = vector.broadcast %broadcast_in_dim3A_100 : vector<1x256xf32> to vector<896x256xf32>
    %mul3A_102 = arith.mulf %mul3A_101, %slice3A_10 : vector<896x256xf32>
    %add3A_103 = vector.broadcast %broadcast_in_dim3A_97 : vector<1x256xf32> to vector<896x256xf32>
    %add3A_104 = arith.addf %add3A_103, %mul3A_102 : vector<896x256xf32>
    %slice3A_105 = vector.extract_strided_slice %dot_general3A_47 {offsets = [10, 0], sizes = [1, 256], strides = [1, 1]} : vector<16x256xf32> to vector<1x256xf32>
    %squeeze3A_106 = vector.shape_cast %slice3A_105 : vector<1x256xf32> to vector<256xf32>
    %broadcast_in_dim3A_107 = vector.shape_cast %squeeze3A_106 : vector<256xf32> to vector<1x256xf32>
    %mul3A_108 = vector.broadcast %broadcast_in_dim3A_107 : vector<1x256xf32> to vector<896x256xf32>
    %mul3A_109 = arith.mulf %mul3A_108, %slice3A_9 : vector<896x256xf32>
    %add3A_110 = arith.addf %add3A_104, %mul3A_109 : vector<896x256xf32>
    %slice3A_111 = vector.extract_strided_slice %dot_general3A_47 {offsets = [11, 0], sizes = [1, 256], strides = [1, 1]} : vector<16x256xf32> to vector<1x256xf32>
    %squeeze3A_112 = vector.shape_cast %slice3A_111 : vector<1x256xf32> to vector<256xf32>
    %broadcast_in_dim3A_113 = vector.shape_cast %squeeze3A_112 : vector<256xf32> to vector<1x256xf32>
    %mul3A_114 = vector.broadcast %broadcast_in_dim3A_113 : vector<1x256xf32> to vector<896x256xf32>
    %mul3A_115 = arith.mulf %mul3A_114, %mul3A_48 : vector<896x256xf32>
    %add3A_116 = arith.addf %add3A_110, %mul3A_115 : vector<896x256xf32>
    %mul3A_117 = arith.mulf %add3A_116, %slice3A : vector<896x256xf32>
    %add3A_118 = arith.addf %add3A_94, %mul3A_117 : vector<896x256xf32>
    %slice3A_119 = vector.extract_strided_slice %dot_general3A_47 {offsets = [12, 0], sizes = [1, 256], strides = [1, 1]} : vector<16x256xf32> to vector<1x256xf32>
    %squeeze3A_120 = vector.shape_cast %slice3A_119 : vector<1x256xf32> to vector<256xf32>
    %broadcast_in_dim3A_121 = vector.shape_cast %squeeze3A_120 : vector<256xf32> to vector<1x256xf32>
    %slice3A_122 = vector.extract_strided_slice %dot_general3A_47 {offsets = [13, 0], sizes = [1, 256], strides = [1, 1]} : vector<16x256xf32> to vector<1x256xf32>
    %squeeze3A_123 = vector.shape_cast %slice3A_122 : vector<1x256xf32> to vector<256xf32>
    %broadcast_in_dim3A_124 = vector.shape_cast %squeeze3A_123 : vector<256xf32> to vector<1x256xf32>
    %mul3A_125 = vector.broadcast %broadcast_in_dim3A_124 : vector<1x256xf32> to vector<896x256xf32>
    %mul3A_126 = arith.mulf %mul3A_125, %slice3A_10 : vector<896x256xf32>
    %add3A_127 = vector.broadcast %broadcast_in_dim3A_121 : vector<1x256xf32> to vector<896x256xf32>
    %add3A_128 = arith.addf %add3A_127, %mul3A_126 : vector<896x256xf32>
    %slice3A_129 = vector.extract_strided_slice %dot_general3A_47 {offsets = [14, 0], sizes = [1, 256], strides = [1, 1]} : vector<16x256xf32> to vector<1x256xf32>
    %squeeze3A_130 = vector.shape_cast %slice3A_129 : vector<1x256xf32> to vector<256xf32>
    %broadcast_in_dim3A_131 = vector.shape_cast %squeeze3A_130 : vector<256xf32> to vector<1x256xf32>
    %mul3A_132 = vector.broadcast %broadcast_in_dim3A_131 : vector<1x256xf32> to vector<896x256xf32>
    %mul3A_133 = arith.mulf %mul3A_132, %slice3A_9 : vector<896x256xf32>
    %add3A_134 = arith.addf %add3A_128, %mul3A_133 : vector<896x256xf32>
    %slice3A_135 = vector.extract_strided_slice %dot_general3A_47 {offsets = [15, 0], sizes = [1, 256], strides = [1, 1]} : vector<16x256xf32> to vector<1x256xf32>
    %squeeze3A_136 = vector.shape_cast %slice3A_135 : vector<1x256xf32> to vector<256xf32>
    %broadcast_in_dim3A_137 = vector.shape_cast %squeeze3A_136 : vector<256xf32> to vector<1x256xf32>
    %mul3A_138 = vector.broadcast %broadcast_in_dim3A_137 : vector<1x256xf32> to vector<896x256xf32>
    %mul3A_139 = arith.mulf %mul3A_138, %mul3A_48 : vector<896x256xf32>
    %add3A_140 = arith.addf %add3A_134, %mul3A_139 : vector<896x256xf32>
    %mul3A_141 = arith.mulf %add3A_140, %mul3A_49 : vector<896x256xf32>
    %add3A_142 = arith.addf %add3A_118, %mul3A_141 : vector<896x256xf32>
    %reduce_sum3A = arith.constant dense<0.000000e+00> : vector<896xf32>
    %reduce_sum3A_143 = vector.multi_reduction <add>, %add3A_142, %reduce_sum3A [1] : vector<896x256xf32> to vector<896xf32>
    %broadcast_in_dim3A_144 = vector.shape_cast %reduce_sum3A_143 : vector<896xf32> to vector<1x896xf32>
    %swap3A = arith.constant 0 : index
    %swap3A_145 = arith.constant 0 : index
    %swap3A_146 = vector.load %arg4[%swap3A, %swap3A_145] : memref<1x896xf32, #tpu.memory_space<vmem>>, vector<1x896xf32>
    tpu.vector_store %arg4[%swap3A, %swap3A_145], %broadcast_in_dim3A_144 {strides = array<i32>} : memref<1x896xf32, #tpu.memory_space<vmem>>, vector<1x896xf32>,
    return
  }
  func.func @transform_0(%arg0: i32) -> (i32, i32) {
    %c0_i32 = arith.constant 0 : i32
    %c0_i32_0 = arith.constant 0 : i32
    return %arg0, %c0_i32 : i32, i32
  }
  func.func @transform_1(%arg0: i32) -> (i32, i32) {
    %c0_i32 = arith.constant 0 : i32
    %c0_i32_0 = arith.constant 0 : i32
    %c0_i32_1 = arith.constant 0 : i32
    return %c0_i32, %c0_i32_0 : i32, i32
  }
  func.func @transform_2(%arg0: i32) -> (i32, i32) {
    %c0_i32 = arith.constant 0 : i32
    %c0_i32_0 = arith.constant 0 : i32
    %c0_i32_1 = arith.constant 0 : i32
    return %c0_i32, %c0_i32_0 : i32, i32
  }
  func.func @transform_3(%arg0: i32) -> (i32, i32) {
    %c0_i32 = arith.constant 0 : i32
    %c0_i32_0 = arith.constant 0 : i32
    return %c0_i32, %arg0 : i32, i32
  }
}

module attributes {stable_mosaic.version = 14 : i64} {
  func.func @_dense_body(%arg0: i32, %arg1: memref<1024x512xf32, #tpu.memory_space<vmem>>, %arg2: memref<256x16xf32, #tpu.memory_space<vmem>>, %arg3: memref<1x512xf32, #tpu.memory_space<vmem>>) attributes {dimension_semantics = [#tpu.dimension_semantics<arbitrary>], iteration_bounds = array<i64: 1>, scalar_prefetch = 0 : i64, scratch_operands = 0 : i64, tpu.core_type = #tpu.core_type<tc>, window_params = [{transform_indices = @transform_0, window_bounds = array<i64: 1024, 512>}, {pipeline_mode = #tpu.pipeline_mode<synchronous>, transform_indices = @transform_1, window_bounds = array<i64: 256, 16>}, {transform_indices = @transform_2, window_bounds = array<i64: 1, 512>}]} {
    %get3A = arith.constant 0 : index
    %get3A_0 = arith.constant 0 : index
    %get3A_1 = vector.load %arg1[%get3A, %get3A_0] : memref<1024x512xf32, #tpu.memory_space<vmem>>, vector<256x512xf32>
    %get3A_2 = arith.constant 256 : index
    %get3A_3 = arith.constant 0 : index
    %get3A_4 = vector.load %arg1[%get3A_2, %get3A_3] : memref<1024x512xf32, #tpu.memory_space<vmem>>, vector<256x512xf32>
    %get3A_5 = arith.constant 512 : index
    %get3A_6 = arith.constant 0 : index
    %get3A_7 = vector.load %arg1[%get3A_5, %get3A_6] : memref<1024x512xf32, #tpu.memory_space<vmem>>, vector<256x512xf32>
    %get3A_8 = arith.constant 768 : index
    %get3A_9 = arith.constant 0 : index
    %get3A_10 = vector.load %arg1[%get3A_8, %get3A_9] : memref<1024x512xf32, #tpu.memory_space<vmem>>, vector<256x512xf32>
    %get3A_11 = arith.constant 0 : index
    %get3A_12 = arith.constant 0 : index
    %get3A_13 = vector.load %arg2[%get3A_11, %get3A_12] : memref<256x16xf32, #tpu.memory_space<vmem>>, vector<256x16xf32>
    %iota3A = tpu.iota {dimensions = array<i32: 0>} : vector<16x16xi32>
    %iota3A_14 = tpu.iota {dimensions = array<i32: 1>} : vector<16x16xi32>
    %and3A = arith.andi %iota3A, %iota3A_14 : vector<16x16xi32>
    %eq3A = arith.cmpi eq, %and3A, %iota3A : vector<16x16xi32>
    %xor3A = arith.xori %iota3A_14, %iota3A : vector<16x16xi32>
    %and3A_15 = arith.constant 1 : i32
    %and3A_16 = vector.broadcast %and3A_15 : i32 to vector<16x16xi32>
    %and3A_17 = arith.andi %xor3A, %and3A_16 : vector<16x16xi32>
    %shift_right_arithmetic3A = arith.constant 1 : i32
    %shift_right_arithmetic3A_18 = vector.broadcast %shift_right_arithmetic3A : i32 to vector<16x16xi32>
    %shift_right_arithmetic3A_19 = arith.shrsi %xor3A, %shift_right_arithmetic3A_18 : vector<16x16xi32>
    %and3A_20 = arith.constant 1 : i32
    %and3A_21 = vector.broadcast %and3A_20 : i32 to vector<16x16xi32>
    %and3A_22 = arith.andi %shift_right_arithmetic3A_19, %and3A_21 : vector<16x16xi32>
    %add3A = arith.addi %and3A_17, %and3A_22 : vector<16x16xi32>
    %shift_right_arithmetic3A_23 = arith.constant 2 : i32
    %shift_right_arithmetic3A_24 = vector.broadcast %shift_right_arithmetic3A_23 : i32 to vector<16x16xi32>
    %shift_right_arithmetic3A_25 = arith.shrsi %xor3A, %shift_right_arithmetic3A_24 : vector<16x16xi32>
    %and3A_26 = arith.constant 1 : i32
    %and3A_27 = vector.broadcast %and3A_26 : i32 to vector<16x16xi32>
    %and3A_28 = arith.andi %shift_right_arithmetic3A_25, %and3A_27 : vector<16x16xi32>
    %add3A_29 = arith.addi %add3A, %and3A_28 : vector<16x16xi32>
    %shift_right_arithmetic3A_30 = arith.constant 3 : i32
    %shift_right_arithmetic3A_31 = vector.broadcast %shift_right_arithmetic3A_30 : i32 to vector<16x16xi32>
    %shift_right_arithmetic3A_32 = arith.shrsi %xor3A, %shift_right_arithmetic3A_31 : vector<16x16xi32>
    %and3A_33 = arith.constant 1 : i32
    %and3A_34 = vector.broadcast %and3A_33 : i32 to vector<16x16xi32>
    %and3A_35 = arith.andi %shift_right_arithmetic3A_32, %and3A_34 : vector<16x16xi32>
    %add3A_36 = arith.addi %add3A_29, %and3A_35 : vector<16x16xi32>
    %and3A_37 = arith.constant 1 : i32
    %and3A_38 = vector.broadcast %and3A_37 : i32 to vector<16x16xi32>
    %and3A_39 = arith.andi %add3A_36, %and3A_38 : vector<16x16xi32>
    %mul3A = arith.constant 2 : i32
    %mul3A_40 = vector.broadcast %mul3A : i32 to vector<16x16xi32>
    %mul3A_41 = arith.muli %mul3A_40, %and3A_39 : vector<16x16xi32>
    %sub3A = arith.constant 1 : i32
    %sub3A_42 = vector.broadcast %sub3A : i32 to vector<16x16xi32>
    %sub3A_43 = arith.subi %sub3A_42, %mul3A_41 : vector<16x16xi32>
    %convert_element_type3A = arith.sitofp %sub3A_43 : vector<16x16xi32> to vector<16x16xf32>
    %jit3A = arith.constant 0.000000e+00 : f32
    %broadcast_in_dim3A = vector.broadcast %jit3A : f32 to vector<16x16xf32>
    %select_n3A = arith.select %eq3A, %convert_element_type3A, %broadcast_in_dim3A : vector<16x16xi1>, vector<16x16xf32>
    %dot_general3A = arith.constant dense<0.000000e+00> : vector<256x16xf32>
    %dot_general3A_44 = tpu.matmul %get3A_13, %select_n3A, %dot_general3A {dimension_numbers = #tpu.dot_dimension_numbers<[1], [0], [0], [1], [0, 0, 1, 1], [], []>, transpose_lhs_hint = false} : vector<256x16xf32>, vector<16x16xf32>, vector<256x16xf32> -> vector<256x16xf32>
    %mul3A_45 = arith.mulf %get3A_7, %get3A_10 : vector<256x512xf32>
    %mul3A_46 = arith.mulf %get3A_1, %get3A_4 : vector<256x512xf32>
    %slice3A = vector.extract_strided_slice %dot_general3A_44 {offsets = [0, 0], sizes = [256, 1], strides = [1, 1]} : vector<256x16xf32> to vector<256x1xf32>
    %slice3A_47 = vector.extract_strided_slice %dot_general3A_44 {offsets = [0, 1], sizes = [256, 1], strides = [1, 1]} : vector<256x16xf32> to vector<256x1xf32>
    %mul3A_48 = vector.broadcast %slice3A_47 : vector<256x1xf32> to vector<256x512xf32>
    %mul3A_49 = arith.mulf %mul3A_48, %get3A_10 : vector<256x512xf32>
    %add3A_50 = vector.broadcast %slice3A : vector<256x1xf32> to vector<256x512xf32>
    %add3A_51 = arith.addf %add3A_50, %mul3A_49 : vector<256x512xf32>
    %slice3A_52 = vector.extract_strided_slice %dot_general3A_44 {offsets = [0, 2], sizes = [256, 1], strides = [1, 1]} : vector<256x16xf32> to vector<256x1xf32>
    %mul3A_53 = vector.broadcast %slice3A_52 : vector<256x1xf32> to vector<256x512xf32>
    %mul3A_54 = arith.mulf %mul3A_53, %get3A_7 : vector<256x512xf32>
    %add3A_55 = arith.addf %add3A_51, %mul3A_54 : vector<256x512xf32>
    %slice3A_56 = vector.extract_strided_slice %dot_general3A_44 {offsets = [0, 3], sizes = [256, 1], strides = [1, 1]} : vector<256x16xf32> to vector<256x1xf32>
    %mul3A_57 = vector.broadcast %slice3A_56 : vector<256x1xf32> to vector<256x512xf32>
    %mul3A_58 = arith.mulf %mul3A_57, %mul3A_45 : vector<256x512xf32>
    %add3A_59 = arith.addf %add3A_55, %mul3A_58 : vector<256x512xf32>
    %slice3A_60 = vector.extract_strided_slice %dot_general3A_44 {offsets = [0, 4], sizes = [256, 1], strides = [1, 1]} : vector<256x16xf32> to vector<256x1xf32>
    %slice3A_61 = vector.extract_strided_slice %dot_general3A_44 {offsets = [0, 5], sizes = [256, 1], strides = [1, 1]} : vector<256x16xf32> to vector<256x1xf32>
    %mul3A_62 = vector.broadcast %slice3A_61 : vector<256x1xf32> to vector<256x512xf32>
    %mul3A_63 = arith.mulf %mul3A_62, %get3A_10 : vector<256x512xf32>
    %add3A_64 = vector.broadcast %slice3A_60 : vector<256x1xf32> to vector<256x512xf32>
    %add3A_65 = arith.addf %add3A_64, %mul3A_63 : vector<256x512xf32>
    %slice3A_66 = vector.extract_strided_slice %dot_general3A_44 {offsets = [0, 6], sizes = [256, 1], strides = [1, 1]} : vector<256x16xf32> to vector<256x1xf32>
    %mul3A_67 = vector.broadcast %slice3A_66 : vector<256x1xf32> to vector<256x512xf32>
    %mul3A_68 = arith.mulf %mul3A_67, %get3A_7 : vector<256x512xf32>
    %add3A_69 = arith.addf %add3A_65, %mul3A_68 : vector<256x512xf32>
    %slice3A_70 = vector.extract_strided_slice %dot_general3A_44 {offsets = [0, 7], sizes = [256, 1], strides = [1, 1]} : vector<256x16xf32> to vector<256x1xf32>
    %mul3A_71 = vector.broadcast %slice3A_70 : vector<256x1xf32> to vector<256x512xf32>
    %mul3A_72 = arith.mulf %mul3A_71, %mul3A_45 : vector<256x512xf32>
    %add3A_73 = arith.addf %add3A_69, %mul3A_72 : vector<256x512xf32>
    %mul3A_74 = arith.mulf %add3A_73, %get3A_4 : vector<256x512xf32>
    %add3A_75 = arith.addf %add3A_59, %mul3A_74 : vector<256x512xf32>
    %slice3A_76 = vector.extract_strided_slice %dot_general3A_44 {offsets = [0, 8], sizes = [256, 1], strides = [1, 1]} : vector<256x16xf32> to vector<256x1xf32>
    %slice3A_77 = vector.extract_strided_slice %dot_general3A_44 {offsets = [0, 9], sizes = [256, 1], strides = [1, 1]} : vector<256x16xf32> to vector<256x1xf32>
    %mul3A_78 = vector.broadcast %slice3A_77 : vector<256x1xf32> to vector<256x512xf32>
    %mul3A_79 = arith.mulf %mul3A_78, %get3A_10 : vector<256x512xf32>
    %add3A_80 = vector.broadcast %slice3A_76 : vector<256x1xf32> to vector<256x512xf32>
    %add3A_81 = arith.addf %add3A_80, %mul3A_79 : vector<256x512xf32>
    %slice3A_82 = vector.extract_strided_slice %dot_general3A_44 {offsets = [0, 10], sizes = [256, 1], strides = [1, 1]} : vector<256x16xf32> to vector<256x1xf32>
    %mul3A_83 = vector.broadcast %slice3A_82 : vector<256x1xf32> to vector<256x512xf32>
    %mul3A_84 = arith.mulf %mul3A_83, %get3A_7 : vector<256x512xf32>
    %add3A_85 = arith.addf %add3A_81, %mul3A_84 : vector<256x512xf32>
    %slice3A_86 = vector.extract_strided_slice %dot_general3A_44 {offsets = [0, 11], sizes = [256, 1], strides = [1, 1]} : vector<256x16xf32> to vector<256x1xf32>
    %mul3A_87 = vector.broadcast %slice3A_86 : vector<256x1xf32> to vector<256x512xf32>
    %mul3A_88 = arith.mulf %mul3A_87, %mul3A_45 : vector<256x512xf32>
    %add3A_89 = arith.addf %add3A_85, %mul3A_88 : vector<256x512xf32>
    %mul3A_90 = arith.mulf %add3A_89, %get3A_1 : vector<256x512xf32>
    %add3A_91 = arith.addf %add3A_75, %mul3A_90 : vector<256x512xf32>
    %slice3A_92 = vector.extract_strided_slice %dot_general3A_44 {offsets = [0, 12], sizes = [256, 1], strides = [1, 1]} : vector<256x16xf32> to vector<256x1xf32>
    %slice3A_93 = vector.extract_strided_slice %dot_general3A_44 {offsets = [0, 13], sizes = [256, 1], strides = [1, 1]} : vector<256x16xf32> to vector<256x1xf32>
    %mul3A_94 = vector.broadcast %slice3A_93 : vector<256x1xf32> to vector<256x512xf32>
    %mul3A_95 = arith.mulf %mul3A_94, %get3A_10 : vector<256x512xf32>
    %add3A_96 = vector.broadcast %slice3A_92 : vector<256x1xf32> to vector<256x512xf32>
    %add3A_97 = arith.addf %add3A_96, %mul3A_95 : vector<256x512xf32>
    %slice3A_98 = vector.extract_strided_slice %dot_general3A_44 {offsets = [0, 14], sizes = [256, 1], strides = [1, 1]} : vector<256x16xf32> to vector<256x1xf32>
    %mul3A_99 = vector.broadcast %slice3A_98 : vector<256x1xf32> to vector<256x512xf32>
    %mul3A_100 = arith.mulf %mul3A_99, %get3A_7 : vector<256x512xf32>
    %add3A_101 = arith.addf %add3A_97, %mul3A_100 : vector<256x512xf32>
    %slice3A_102 = vector.extract_strided_slice %dot_general3A_44 {offsets = [0, 15], sizes = [256, 1], strides = [1, 1]} : vector<256x16xf32> to vector<256x1xf32>
    %mul3A_103 = vector.broadcast %slice3A_102 : vector<256x1xf32> to vector<256x512xf32>
    %mul3A_104 = arith.mulf %mul3A_103, %mul3A_45 : vector<256x512xf32>
    %add3A_105 = arith.addf %add3A_101, %mul3A_104 : vector<256x512xf32>
    %mul3A_106 = arith.mulf %add3A_105, %mul3A_46 : vector<256x512xf32>
    %add3A_107 = arith.addf %add3A_91, %mul3A_106 : vector<256x512xf32>
    %reduce_sum3A = arith.constant dense<0.000000e+00> : vector<512xf32>
    %reduce_sum3A_108 = vector.multi_reduction <add>, %add3A_107, %reduce_sum3A [0] : vector<256x512xf32> to vector<512xf32>
    %broadcast_in_dim3A_109 = vector.shape_cast %reduce_sum3A_108 : vector<512xf32> to vector<1x512xf32>
    %swap3A = arith.constant 0 : index
    %swap3A_110 = arith.constant 0 : index
    %swap3A_111 = vector.load %arg3[%swap3A, %swap3A_110] : memref<1x512xf32, #tpu.memory_space<vmem>>, vector<1x512xf32>
    tpu.vector_store %arg3[%swap3A, %swap3A_110], %broadcast_in_dim3A_109 {strides = array<i32>} : memref<1x512xf32, #tpu.memory_space<vmem>>, vector<1x512xf32>,
    return
  }
  func.func @transform_0(%arg0: i32) -> (i32, i32) {
    %c0_i32 = arith.constant 0 : i32
    %c0_i32_0 = arith.constant 0 : i32
    return %c0_i32, %arg0 : i32, i32
  }
  func.func @transform_1(%arg0: i32) -> (i32, i32) {
    %c0_i32 = arith.constant 0 : i32
    %c0_i32_0 = arith.constant 0 : i32
    %c0_i32_1 = arith.constant 0 : i32
    return %c0_i32, %c0_i32_0 : i32, i32
  }
  func.func @transform_2(%arg0: i32) -> (i32, i32) {
    %c0_i32 = arith.constant 0 : i32
    %c0_i32_0 = arith.constant 0 : i32
    return %c0_i32, %arg0 : i32, i32
  }
}

</mosaic_0001>

<sc_bundles>
// kernel: kernel.5.cloned.1.call-start
scs
__scs_entry_jumppad:
0x0: {  	(pc) =	sbr.rel $0x88, $3  }
0x1: {  	(tag) =	ssettag $0x0;
	lr =	simm.s32 $0x1  }
0x2: {  	[smem:$0x3F9E] =	sst lr;
	_ =	strace $0xD0000000  }
0x3: {  	_ = 	snop  }
0x4: {  	_ = 	snop  }
0x5: {  	_ = 	snop  }
0x6: {  	_ = 	snop  }
0x7: {  	_ = 	snop  }
__scs_overlays_trampoline_lowered:
0x8: {  	[smem:$0x3FAD] =	sst s0  }
0x9: {  	[smem:$0x3FAE] =	sst s1  }
0xa: {  	[smem:$0x3FAF] =	sst s2  }
0xb: {  	[smem:$0x3FB0] =	sst s3  }
0xc: {  	[smem:$0x3FB1] =	sst s4  }
0xd: {  	[smem:$0x3FB2] =	sst s5  }
0xe: {  	[smem:$0x3FB3] =	sst s6  }
0xf: {  	[smem:$0x3FB4] =	sst s7  }
0x10: {  	[smem:$0x3FB5] =	sst s8  }
0x11: {  	[smem:$0x3FB6] =	sst s9;
	s0 =	simm.s32 @!p0 $0x0  }
0x12: {  	s1 =	sld [smem:$0x3F9C];
	s0 =	simm.s32 @p0 $0x1  }
0x13: {  	[smem:$0x3FB7] =	sst s0;
	s0 =	simm.s32 @!p1 $0x0  }
0x14: {  	s2 =	sld [smem:$0x3F9B];
	s0 =	simm.s32 @p1 $0x1  }
0x15: {  	[smem:$0x3FB8] =	sst s0;
	s0 =	simm.s32 @!p2 $0x0  }
0x16: {  	s3 =	sld [smem:$0x3FDB];
	s0 =	simm.s32 @p2 $0x1  }
0x17: {  	s4 =	simm.s32 $0x1BF5;
	[smem:$0x3FBA] =	sst s0  }
0x18: {  	s0 =	sld [smem:$0x3F9D];
	_ =	swait.ge [sflag:s4], $0x0  }
0x19: {  	s7 =	sld [smem:$0x3F9E]  }
0x1a: {  	s8 =	sadd.s32 $0xFFFFE003, lr  }
0x1b: {  	s9 =	sadd.s32 $0xFFFFFEF7, lr;
	s5 =	simm.s32 $0xFFFFFFFF;
	p2 =	slt.u32 s8, $0xFFFFF086  }
0x1c: {  	p1 =	slt.u32 s9, $0xF7A;
	s5 =	simm.s32 @!p2 $0x0  }
0x1d: {  	s5 =	simm.s32 @p1 $0x1;
	p0 =	seq.s32 s7, s2  }
0x1e: {  	s7 =	smul.u32 @!p0 $0xF7A, s2;
	p2 =	seq.s32 @!p0 s5, $0x0  }
0x1f: {  	s9 =	smul.u32 $0xF7A, s1;
	s8 =	simm.s32 @!p0 $0x1BF5;
	p2 =	por !p2, p0  }
0x20: {  	[sflag:s8] =	ssyncset.s32 @!p0 $0xFFFFF086;
	s6 =	sadd.s32 @!p0 s3, s7;
	s7 =	simm.s32 @!p0 $0x108  }
0x21: {  	s3 =	sadd.s32 s3, s9;
	s6 =	sadd.s32 @!p0 $0x88, s6;
	s7 =	simm.s32 @p2 $0x1082  }
0x22: {  	[simem:s7], [sflag:s8] =	dma.local @!p0 [hbm:s6], $0xF7A  }
0x23: {  	s9 =	sor.u32 $0xD0000000, s2;
	s6 =	simm.s32 $0x108;
	_ =	swait.ge @!p0 [sflag:s8], $0x0  }
0x24: {  	s3 =	sadd.s32 $0x88, s3;
	s6 =	simm.s32 @!p1 $0x1082;
	[sflag:s4] =	ssyncset.s32 $0xFFFFF086  }
0x25: {  	[simem:s6], [sflag:s4] =	dma.local [hbm:s3], $0xF7A  }
0x26: {  	[smem:$0x3F9E] =	sst s1;
	(tag) =	ssettag s2;
	_ =	strace s9  }
0x27: {  	s1 =	sld [smem:$0x3FAE]  }
0x28: {  	s2 =	sld [smem:$0x3FAF]  }
0x29: {  	s4 =	sld [smem:$0x3FB1]  }
0x2a: {  	p0 =	seq.s32 s5, $0x0;
	s5 =	sld [smem:$0x3FB2]  }
0x2b: {  	s6 =	sld [smem:$0x3FB3]  }
0x2c: {  	s7 =	sld [smem:$0x3FB4]  }
0x2d: {  	s3 =	simm.s32 $0x108;
	s8 =	sld [smem:$0x3FB5]  }
0x2e: {  	s3 =	simm.s32 @!p0 $0x1082;
	s9 =	sld [smem:$0x3FB6]  }
0x2f: {  	lr =	sadd.s32 s0, s3;
	s0 =	sld [smem:$0x3FAD]  }
0x30: {  	s3 =	sld [smem:$0x3FB0]  }
0x31: {  	[smem:$0x3FB9] =	sst s10  }
0x32: {  	s10 =	sld [smem:$0x3FB7];
	_ =	sdelay $0x3  }
0x33: {  	p0 =	seq.s32 s10, $0x1;
	s10 =	sld [smem:$0x3FB9];
	_ =	sdelay $0x3  }
0x34: {  	[smem:$0x3FB9] =	sst s10  }
0x35: {  	s10 =	sld [smem:$0x3FB8];
	_ =	sdelay $0x3  }
0x36: {  	p1 =	seq.s32 s10, $0x1;
	s10 =	sld [smem:$0x3FB9];
	_ =	sdelay $0x3  }
0x37: {  	[smem:$0x3FB9] =	sst s10  }
0x38: {  	s10 =	sld [smem:$0x3FBA]  }
0x39: {  	_ = 	snop;
	(pc) =	sbr.ind lr, $3  }
0x3a: {  	_ = 	snop  }
0x3b: {  	_ = 	snop  }
0x3c: {  	p2 =	seq.s32 s10, $0x1;
	s10 =	sld [smem:$0x3FB9]  }
0x3d: {  	_ =	shalt  }
0x3e: {  	_ =	shalt  }
0x3f: {  	_ =	shalt  }
0x40: {  	_ =	shalt  }
0x41: {  	_ =	shalt  }
0x42: {  	_ =	shalt  }
0x43: {  	_ =	shalt  }
0x44: {  	_ =	shalt  }
0x45: {  	_ =	shalt  }
0x46: {  	_ =	shalt  }
0x47: {  	_ =	shalt  }
0x48: {  	_ =	shalt  }
0x49: {  	_ =	shalt  }
0x4a: {  	_ =	shalt  }
0x4b: {  	_ =	shalt  }
0x4c: {  	_ =	shalt  }
0x4d: {  	_ =	shalt  }
0x4e: {  	_ =	shalt  }
0x4f: {  	_ =	shalt  }
0x50: {  	_ =	shalt  }
0x51: {  	_ =	shalt  }
0x52: {  	_ =	shalt  }
0x53: {  	_ =	shalt  }
0x54: {  	_ =	shalt  }
0x55: {  	_ =	shalt  }
0x56: {  	_ =	shalt  }
0x57: {  	_ =	shalt  }
0x58: {  	_ =	shalt  }
0x59: {  	_ =	shalt  }
0x5a: {  	_ =	shalt  }
0x5b: {  	_ =	shalt  }
0x5c: {  	_ =	shalt  }
0x5d: {  	_ =	shalt  }
0x5e: {  	_ =	shalt  }
0x5f: {  	_ =	shalt  }
0x60: {  	_ =	shalt  }
0x61: {  	_ =	shalt  }
0x62: {  	_ =	shalt  }
0x63: {  	_ =	shalt  }
0x64: {  	_ =	shalt  }
0x65: {  	_ =	shalt  }
0x66: {  	_ =	shalt  }
0x67: {  	_ =	shalt  }
0x68: {  	_ =	shalt  }
0x69: {  	_ =	shalt  }
0x6a: {  	_ =	shalt  }
0x6b: {  	_ =	shalt  }
0x6c: {  	_ =	shalt  }
0x6d: {  	_ =	shalt  }
0x6e: {  	_ =	shalt  }
0x6f: {  	_ =	shalt  }
0x70: {  	_ =	shalt  }
0x71: {  	_ =	shalt  }
0x72: {  	_ =	shalt  }
0x73: {  	_ =	shalt  }
0x74: {  	_ =	shalt  }
0x75: {  	_ =	shalt  }
0x76: {  	_ =	shalt  }
0x77: {  	_ =	shalt  }
0x78: {  	_ =	shalt  }
0x79: {  	_ =	shalt  }
0x7a: {  	_ =	shalt  }
0x7b: {  	_ =	shalt  }
0x7c: {  	_ =	shalt  }
0x7d: {  	_ =	shalt  }
0x7e: {  	_ =	shalt  }
0x7f: {  	_ =	shalt  }
0x80: {  	_ =	shalt  }
0x81: {  	_ =	shalt  }
0x82: {  	_ =	shalt  }
0x83: {  	_ =	shalt  }
0x84: {  	_ =	shalt  }
0x85: {  	_ =	shalt  }
0x86: {  	_ =	shalt  }
0x87: {  	_ =	shalt  }
.Lfunc_end0:
.L_simem_size_0:
called_computation_lowered:
.L_overlay_start_0:
0x88: {  	s2 =	sld [smem:$0x3FD9]  }
0x89: {  	s3 =	sld [smem:$0x3FFE];
	_ =	sdelay $0x1  }
0x8a: {  	s1 =	srdreg.scid  }
0x8b: {  	s0 =	sand.u32 $0x1, s1  }
0x8c: {  	s17 =	sshll.u32 s0, $0xA;
	s2 =	sadd.s32 s3, s2  }
0x8d: {  	s2 =	sadd.s32 s2, s17  }
0x8e: {  	[smem:$0x3FC5] =	sst s2  }
0x8f: {  	_ = 	snop  }
0x90: {  	s2 =	sld [smem:$0x3FD0];
	(tm) =	ssettm $0x1  }
0x91: {  	s18 =	sld [smem:$0x3FFB];
	_ =	sdelay $0x3  }
0x92: {  	_ =	strace s18  }
0x93: {  	s3 =	sld [smem:$0x3FFC];
	_ =	sdelay $0x3  }
0x94: {  	_ =	strace s3  }
0x95: {  	s3 =	sld [smem:$0x3FFD];
	_ =	sdelay $0x3  }
0x96: {  	_ =	strace s3  }
0x97: {  	_ =	strace $0x8FFFFFFF  }
0x98: {  	s19 =	sld [smem:$0x3FDB];
	_ =	sdelay $0x1  }
0x99: {  	s4 =	simm.s32 $_scs_section_size  }
0x9a: {  	s5 =	simm.s32 $_size__tile_overlayer_lowered;
	s6 =	simm.s32 $_tile_overlayer_lowered  }
0x9b: {  	s22 =	simm.s32 $0x1BFF;
	s21 =	sshll.u32 s6, $0x1;
	s3 =	sadd.s32 s4, s19  }
0x9c: {  	s7 =	simm.s32 $0x0;
	s20 =	sshll.u32 s5, $0x1;
	s5 =	sadd.s32 s21, s3  }
0x9d: {  	[timem:s7], [sflag:s22] =	dma.local [hbm:s5], s20  }
0x9e: {  	_ =	swait.ge [sflag:s22], s20  }
0x9f: {  	s4 =	ssub.s32 $0x0, s20;
	[sflag:s22] =	ssyncset.done $0x0  }
0xa0: {  	[sflag:s22] =	ssyncadd.s32 s4;
	_ =	sdelay $0x1  }
0xa1: {  	s23 =	simm.s32 $0x1B8B  }
0xa2: {  	_ =	swait.ge [sflag:s23], $0x1  }
0xa3: {  	[sflag:s23] =	ssyncset.done $0x0  }
0xa4: {  	s25 =	simm.s32 $0x1B8E;
	s24 =	sld [smem:$0x3FFE];
	[sflag:s23] =	ssyncadd.s32 $0xFFFFFFFF  }
0xa5: {  	s26 =	simm.s32 $execute0_lowered;
	[smem:$0x3FD2] =	sst s25  }
0xa6: {  	s5 =	sshll.u32 s26, $0x1;
	_ =	strace $0x80000046;
	[dreg:$0x1] =	wrdreg $0xFFFFFFFF  }
0xa7: {  	s28 =	simm.s32 $_size_execute0_lowered;
	s3 =	sadd.s32 s3, s5;
	[dreg:$0x0] =	wrdreg $0x0  }
0xa8: {  	s5 =	sshll.u32 s28, $0x1;
	[dreg:$0x2] =	wrdreg s3  }
0xa9: {  	[dreg:$0x3] =	wrdreg s5  }
0xaa: {  	[dreg:$0x4] =	wrdreg $0xC0  }
0xab: {  	_ =	task [dreg:s7], $0x5FFFF  }
0xac: {  	[dreg:$0x1] =	wrdreg $0xFFFFFFFF  }
0xad: {  	[dreg:$0x0] =	wrdreg $0x60  }
0xae: {  	[dreg:$0x2] =	wrdreg s24  }
0xaf: {  	[dreg:$0x3] =	wrdreg s2  }
0xb0: {  	[dreg:$0x4] =	wrdreg $0x9  }
0xb1: {  	_ =	task.clear_ibuf [dreg:s7], $0x5FFFF;
	_ =	strace $0x90000046  }
0xb2: {  	s29 =	simm.s32 $0x9;
	_ =	strace $0x80000048  }
0xb3: {  	_ =	swait.ge [sflag:s29], $0x1  }
0xb4: {  	[sflag:s29] =	ssyncadd.s32 $0xFFFFFFFF  }
0xb5: {  	_ =	strace $0x90000048  }
0xb6: {  	_ =	sfence  }
0xb7: {  	s30 =	sld [smem:$0x0];
	_ =	sdelay $0x2  }
0xb8: {  	s31 =	sshll.u32 s1, $0xD;
	s1 =	sshrl.u32 s1, $0x2  }
0xb9: {  	s3 =	sand.u32 $0x4000, s31;
	s1 =	sadd.s32 s1, s30  }
0xba: {  	s0 =	sor.u32 s3, s0;
	s1 =	sshll.u32 s1, $0x11  }
0xbb: {  	s0 =	sor.u32 s1, s0  }
0xbc: {  	s0 =	sadd.s32 $0x8F2B, s0  }
0xbd: {  	[sflag:s0] =	ssyncadd.remote.s32 $0x1  }
0xbe: {  	_ =	sfence.sel $0xFFFF  }
0xbf: {  	[dreg:$0x0] =	wrdreg $0xFFFFFFFF;
	(pc) =	sbr.abs _section_cstart, $3  }
0xc0: {  	[dreg:$0x1] =	wrdreg $0xFFFFFFFF  }
0xc1: {  	_ =	task.clear_ibuf [dreg:s7], $0x2FFFF;
	_ =	strace $0x9FFFFFFF  }
0xc2: {  	(tm) =	ssettm $0x7FFFFFFF  }
0xc3: {  	_ =	shalt  }
tec
execute0_lowered:
.L_overlay_start_1:
0x0: {  	(tag) =	ssettag $0x1  }
0x1: {  	s5 =	rddreg [dreg:$0x0]  }
0x2: {  	s10 =	rddreg [dreg:$0x1]  }
0x3: {  	s0 =	rddreg [dreg:$0x2]  }
0x4: {  	s2 =	simm.s32 $0x0;
	s3 =	srdreg.scid;
	s1 =	stileid.u32  }
0x5: {  	s16 =	simm.s32 $0x900;
	s17 =	simm.s32 $0x80;
	s18 =	simm.s32 $0x1100  }
0x6: {  	s19 =	simm.s32 $0x1900;
	s20 =	simm.s32 $0x1;
	s21 =	simm.s32 $0x3  }
0x7: {  	s22 =	simm.s32 $0x2;
	s23 =	simm.s32 $0x4;
	[smem:$0x7FF] =	sst s2  }
0x8: {  	s3 =	sand.u32 $0x1, s3;
	s6 =	sshll.u32 s1, $0x6;
	s12 =	sadd.s32 $0x9200, s5  }
0x9: {  	_ =	strace $0x80000047;
	s4 =	ssub.s32 $0x2, s3;
	s7 =	sshll.u32 s3, $0x5  }
0xa: {  	s3 =	sadd.s32 $0x1200, s5;
	s8 =	sshrl.u32 s4, $0x1;
	s9 =	sor.u32 s7, s6  }
0xb: {  	s5 =	sadd.s32 $0x1300, s5;
	s13 =	ssub.s32 s4, s8;
	s26 =	sshrl.u32 s9, $0x3  }
0xc: {  	s11 =	sor.u32 $0x8, s9;
	s7 =	sshll.u32 s9, $0x6;
	s14 =	sor.u32 $0x10, s9  }
0xd: {  	s15 =	sor.u32 $0x18, s9;
	s4 =	sadd.s32 s10, s26;
	s28 =	sshrl.u32 s11, $0x3  }
0xe: {  	s7 =	sadd.s32 s12, s7;
	s29 =	sshrl.u32 s14, $0x3;
	s11 =	sshll.u32 s11, $0x6  }
0xf: {  	s30 =	sshrl.u32 s15, $0x3;
	s14 =	sshll.u32 s14, $0x6;
	s31 =	sshll.u32 s15, $0x6  }
0x10: {  	v0 =	vlaneseq.u32;
	s13 =	smax.u32 s13, $0x1;
	s15 =	simm.s32 $0x100;
	s6 =	sadd.s32 s10, s28  }
0x11: {  	v1 =	vshrl.u32 v0, $0x3;
	s8 =	sadd.s32 s10, s29;
	s9 =	sadd.s32 s12, s11;
	s10 =	sadd.s32 s10, s30  }
0x12: {  	vm0 =	vmmov $0xffff;
	v0 =	vand.u32 $0x7, v0;
	v1 =	vmul.u32 $0x8, v1;
	s11 =	sadd.s32 s12, s14;
	s12 =	sadd.s32 s12, s31;
	s14 =	simm.s32 $0x5  }
.LBB2_1:
0x13: {  	[tilespmem:s2], [sflag:$0x5] =	stream.linear.gather [hbm4b:s4+s2], $0x8, $0x38;
	[tilespmem:$0x2100] =	vst v63  }
0x14: {  	_ =	swait.ge [sflag:s14], $0x8  }
0x15: {  	[sflag:s14] =	ssyncset.done $0x0  }
0x16: {  	[sflag:s14] =	ssyncadd.s32 $0xFFFFFFF8  }
0x17: {  	v2 =	vld.msk [tilespmem:$0x0], $0xff;
	_ =	sdelay $0x4  }
0x18: {  	v3 =	vshll.u32 v2, $0x2  }
0x19: {  	v2 =	vand.u32 $0x7, v2;
	v3 =	vand.u32 $0xFFFFFFE0, v3  }
0x1a: {  	v2 =	vor.u32 v2, v3  }
0x1b: {  	v2 =	vperm.xlane v2, v0;
	_ =	sdelay $0x1  }
0x1c: {  	v2 =	vadd.s32 v1, v2;
	_ =	sdelay $0x4  }
0x1d: {  	[tilespmem:s15], [sflag:$0x1] =	stream.indirect_vreg.gather [hbm4b:s3+s2], $0x80, v2, vm0, $0xb8;
	[tilespmem:$0x2100] =	vst v63  }
0x1e: {  	_ = 	snop  }
0x1f: {  	[tilespmem:s16], [sflag:$0x1] =	stream.indirect_vreg.gather [hbm4b:s5+s2], $0x80, v2, vm0, $0xb8;
	[tilespmem:$0x2100] =	vst v63  }
0x20: {  	_ = 	snop  }
0x21: {  	[tilespmem:s17], [sflag:$0x5] =	stream.linear.gather [hbm4b:s6+s2], $0x8, $0x38;
	[tilespmem:$0x2100] =	vst v63  }
0x22: {  	_ =	swait.ge [sflag:s14], $0x8  }
0x23: {  	[sflag:s14] =	ssyncset.done $0x0  }
0x24: {  	[sflag:s14] =	ssyncadd.s32 $0xFFFFFFF8  }
0x25: {  	v2 =	vld.msk [tilespmem:$0x80], $0xff;
	_ =	sdelay $0x4  }
0x26: {  	v3 =	vshll.u32 v2, $0x2  }
0x27: {  	v2 =	vand.u32 $0x7, v2;
	v3 =	vand.u32 $0xFFFFFFE0, v3  }
0x28: {  	v2 =	vor.u32 v2, v3  }
0x29: {  	v2 =	vperm.xlane v2, v0;
	_ =	sdelay $0x1  }
0x2a: {  	v2 =	vadd.s32 v1, v2;
	_ =	sdelay $0x4  }
0x2b: {  	[tilespmem:s18], [sflag:$0x2] =	stream.indirect_vreg.gather [hbm4b:s3+s2], $0x80, v2, vm0, $0xb8;
	[tilespmem:$0x2100] =	vst v63  }
0x2c: {  	_ = 	snop  }
0x2d: {  	[tilespmem:s19], [sflag:$0x2] =	stream.indirect_vreg.gather [hbm4b:s5+s2], $0x80, v2, vm0, $0xb8;
	[tilespmem:$0x2100] =	vst v63  }
0x2e: {  	_ =	swait.ge [sflag:s20], $0x1000  }
0x2f: {  	[sflag:s20] =	ssyncset.done $0x0  }
0x30: {  	[sflag:s20] =	ssyncadd.s32 $0xFFFFF000  }
0x31: {  	[hbm4b:s7+s2] =	stream.linear.scatter [tilespmem:s15], [sflag:$0x3], $0x1000, $0x38;
	[tilespmem:$0x2100] =	vst v63  }
0x32: {  	_ =	swait.ge [sflag:s21], $0x1000  }
0x33: {  	[sflag:s21] =	ssyncset.done $0x0  }
0x34: {  	[sflag:s21] =	ssyncadd.s32 $0xFFFFF000  }
0x35: {  	[tilespmem:s2], [sflag:$0x5] =	stream.linear.gather [hbm4b:s8+s2], $0x8, $0x38;
	[tilespmem:$0x2100] =	vst v63  }
0x36: {  	_ =	swait.ge [sflag:s14], $0x8  }
0x37: {  	[sflag:s14] =	ssyncset.done $0x0  }
0x38: {  	[sflag:s14] =	ssyncadd.s32 $0xFFFFFFF8  }
0x39: {  	v2 =	vld.msk [tilespmem:$0x0], $0xff;
	_ =	sdelay $0x4  }
0x3a: {  	v3 =	vshll.u32 v2, $0x2  }
0x3b: {  	v2 =	vand.u32 $0x7, v2;
	v3 =	vand.u32 $0xFFFFFFE0, v3  }
0x3c: {  	v2 =	vor.u32 v2, v3  }
0x3d: {  	v2 =	vperm.xlane v2, v0;
	_ =	sdelay $0x1  }
0x3e: {  	v2 =	vadd.s32 v1, v2;
	_ =	sdelay $0x4  }
0x3f: {  	[tilespmem:s15], [sflag:$0x1] =	stream.indirect_vreg.gather [hbm4b:s3+s2], $0x80, v2, vm0, $0xb8;
	[tilespmem:$0x2100] =	vst v63  }
0x40: {  	_ = 	snop  }
0x41: {  	[tilespmem:s16], [sflag:$0x1] =	stream.indirect_vreg.gather [hbm4b:s5+s2], $0x80, v2, vm0, $0xb8;
	[tilespmem:$0x2100] =	vst v63  }
0x42: {  	_ =	swait.ge [sflag:s22], $0x1000  }
0x43: {  	[sflag:s22] =	ssyncset.done $0x0  }
0x44: {  	[sflag:s22] =	ssyncadd.s32 $0xFFFFF000  }
0x45: {  	[hbm4b:s9+s2] =	stream.linear.scatter [tilespmem:s18], [sflag:$0x4], $0x1000, $0x38;
	[tilespmem:$0x2100] =	vst v63  }
0x46: {  	_ =	swait.ge [sflag:s23], $0x1000  }
0x47: {  	[sflag:s23] =	ssyncset.done $0x0  }
0x48: {  	[sflag:s23] =	ssyncadd.s32 $0xFFFFF000  }
0x49: {  	[tilespmem:s17], [sflag:$0x5] =	stream.linear.gather [hbm4b:s10+s2], $0x8, $0x38;
	[tilespmem:$0x2100] =	vst v63  }
0x4a: {  	_ =	swait.ge [sflag:s14], $0x8  }
0x4b: {  	[sflag:s14] =	ssyncset.done $0x0  }
0x4c: {  	[sflag:s14] =	ssyncadd.s32 $0xFFFFFFF8  }
0x4d: {  	v2 =	vld.msk [tilespmem:$0x80], $0xff;
	_ =	sdelay $0x4  }
0x4e: {  	v3 =	vshll.u32 v2, $0x2  }
0x4f: {  	v2 =	vand.u32 $0x7, v2;
	v3 =	vand.u32 $0xFFFFFFE0, v3  }
0x50: {  	v2 =	vor.u32 v2, v3  }
0x51: {  	v2 =	vperm.xlane v2, v0;
	_ =	sdelay $0x1  }
0x52: {  	v2 =	vadd.s32 v1, v2;
	_ =	sdelay $0x4  }
0x53: {  	[tilespmem:s18], [sflag:$0x2] =	stream.indirect_vreg.gather [hbm4b:s3+s2], $0x80, v2, vm0, $0xb8;
	[tilespmem:$0x2100] =	vst v63  }
0x54: {  	_ = 	snop  }
0x55: {  	[tilespmem:s19], [sflag:$0x2] =	stream.indirect_vreg.gather [hbm4b:s5+s2], $0x80, v2, vm0, $0xb8;
	[tilespmem:$0x2100] =	vst v63  }
0x56: {  	_ =	swait.ge [sflag:s20], $0x1000  }
0x57: {  	[sflag:s20] =	ssyncset.done $0x0  }
0x58: {  	[sflag:s20] =	ssyncadd.s32 $0xFFFFF000  }
0x59: {  	[hbm4b:s11+s2] =	stream.linear.scatter [tilespmem:s15], [sflag:$0x3], $0x1000, $0x38;
	[tilespmem:$0x2100] =	vst v63  }
0x5a: {  	_ =	swait.ge [sflag:s22], $0x1000  }
0x5b: {  	[sflag:s22] =	ssyncset.done $0x0  }
0x5c: {  	[sflag:s22] =	ssyncadd.s32 $0xFFFFF000  }
0x5d: {  	[hbm4b:s12+s2] =	stream.linear.scatter [tilespmem:s18], [sflag:$0x4], $0x1000, $0x38;
	[tilespmem:$0x2100] =	vst v63  }
0x5e: {  	p0 =	sne.s32 s13, $0x1;
	_ =	swait.ge [sflag:s21], $0x1000  }
.Ltmp0:
0x5f: {  	[sflag:s21] =	ssyncset.done $0x0;
	(pc) =	sbr.rel @p0 .LBB2_1-.Ltmp0, $4  }
0x60: {  	[sflag:s21] =	ssyncadd.s32 $0xFFFFF000  }
0x61: {  	_ =	swait.ge [sflag:s23], $0x1000  }
0x62: {  	[sflag:s23] =	ssyncset.done $0x0  }
0x63: {  	s13 =	sadd.s32 $0xFFFFFFFF, s13;
	[sflag:s23] =	ssyncadd.s32 $0xFFFFF000  }
0x64: {  	_ =	sfence.sel $0x180000  }
0x65: {  	[bflag:$0x0] =	sbarrier.arrive $0xFFFF  }
0x66: {  	p0 =	sne.s32 s1, $0x0;
	_ =	strace $0x90000047  }
0x67: {  	s0 =	sadd.s32 @!p0 $0x100000, s0;
	[bflag:$0x2] =	sbarrier.arrive $0xFFFF  }
0x68: {  	[sflag:s0] =	ssyncadd.tile.s32 @!p0 $0x1;
	_ =	shalt  }
.Lfunc_end2:
_tile_overlayer_lowered:
.L_overlay_start_2:
0x69: {  	(tag) =	ssettag $0x2  }
0x6a: {  	s0 =	rddreg [dreg:$0x0];
	s2 =	stileid.u32  }
0x6b: {  	s1 =	rddreg [dreg:$0x1];
	p0 =	sne.s32 s2, $0x0  }
0x6c: {  	s3 =	rddreg [dreg:$0x2];
	[bflag:$0x3] =	sbarrier.arrive $0xFFFF;
	s2 =	simm.s32 @!p0 $0x1C05  }
0x6d: {  	[timem:s3], [sflag:s2] =	dma.local @!p0 [hbm:s0], s1  }
0x6e: {  	s0 =	simm.s32 @!p0 $0x5  }
0x6f: {  	_ =	swait.ge @!p0 [sflag:s0], s1  }
0x70: {  	s1 =	ssub.s32 @!p0 $0x0, s1;
	[sflag:s0] =	ssyncset.done @!p0 $0x0  }
0x71: {  	[sflag:s0] =	ssyncadd.s32 @!p0 s1  }
0x72: {  	[bflag:$0x3] =	sbarrier.arrive $0xFFFF  }
0x73: {  	_ =	shalt  }

</sc_bundles>
